<compile_context>
chip_gen: v7x
topology: tpu7x:2x2x1
jax: 0.10.2.dev20260603
libtpu: 0.0.44.dev20260713+nightly
codegen_flags: <defaults>
</compile_context>

<pallas_src>
import functools

import jax
import jax.numpy as jnp
from jax import lax
from jax.experimental import pallas as pl
from jax.experimental.pallas import tpu as pltpu
from jax.experimental.pallas import tpu_sc as plsc

_EMBED = 64
_LANES = 16
_NC = 2
_NS = 16
_NW = _NC * _NS
_R = 128
_SLOTS = 8
_AHEAD = 6


def _emb_body(n_groups, table_hbm, idx_hbm, out_hbm, idx_v, buf, sg, ss):
    per_w = n_groups * _R
    wid = lax.axis_index("s") * _NC + lax.axis_index("c")
    base = wid * per_w

    pltpu.sync_copy(idx_hbm.at[wid], idx_v)

    ones_i = jnp.ones((_LANES,), jnp.int32)
    zeros_i = jnp.zeros((_LANES,), jnp.int32)
    zeros_f = jnp.zeros((_LANES,), jnp.float32)

    def fire_gather(g):
        slot = lax.rem(g, _SLOTS)
        pltpu.async_copy(
            table_hbm.at[idx_v.at[g]],
            buf.at[pl.ds(slot * _R, _R)],
            sg,
        )

    def wait_gather(g):
        slot = lax.rem(g, _SLOTS)
        pltpu.make_async_copy(
            table_hbm.at[idx_v.at[g]],
            buf.at[pl.ds(slot * _R, _R)],
            sg,
        ).wait()

    def fire_scatter(g):
        slot = lax.rem(g, _SLOTS)
        pltpu.async_copy(
            buf.at[pl.ds(slot * _R, _R)],
            out_hbm.at[pl.ds(base + g * _R, _R)],
            ss,
        )

    def wait_scatter_one():
        pltpu.make_async_copy(
            buf.at[pl.ds(0, _R)],
            out_hbm.at[pl.ds(base, _R)],
            ss,
        ).wait()

    def fixup(g):
        slot = lax.rem(g, _SLOTS)
        macc = zeros_i
        for k in range(_R // _LANES):
            v = idx_v[g, pl.ds(k * _LANES, _LANES)]
            macc = macc | jnp.where(v == 0, ones_i, zeros_i)
        any_zero = macc[0]
        for l in range(1, _LANES):
            any_zero = any_zero | macc[l]

        @pl.when(any_zero != 0)
        def _():
            def body(k, carry):
                v = idx_v[g, pl.ds(k * _LANES, _LANES)]
                for l in range(_LANES):
                    s = v[l]

                    @pl.when(s == 0)
                    def _zero_row():
                        r = slot * _R + k * _LANES + l
                        for c in range(_EMBED // _LANES):
                            buf[r, pl.ds(c * _LANES, _LANES)] = zeros_f

                return carry

            lax.fori_loop(0, _R // _LANES, body, 0)

    for g in range(_AHEAD):
        fire_gather(g)

    def step(g, carry):
        wait_gather(g)
        fixup(g)
        fire_scatter(g)

        @pl.when(g + _AHEAD < n_groups)
        def _():
            @pl.when(g >= _SLOTS - _AHEAD)
            def _():
                wait_scatter_one()

            fire_gather(g + _AHEAD)

        return carry

    lax.fori_loop(0, n_groups, step, 0)
    n_waited = max(0, (n_groups - _AHEAD) - (_SLOTS - _AHEAD))
    for _ in range(n_groups - n_waited):
        wait_scatter_one()


@functools.lru_cache(maxsize=None)
def _make_emb(vocab, n_groups):
    n = _NW * n_groups * _R
    mesh = plsc.VectorSubcoreMesh(core_axis_name="c", subcore_axis_name="s")
    return pl.kernel(
        functools.partial(_emb_body, n_groups),
        mesh=mesh,
        compiler_params=pltpu.CompilerParams(use_tc_tiling_on_sc=False),
        out_type=jax.ShapeDtypeStruct((n, _EMBED), jnp.float32),
        scratch_types=[
            pltpu.VMEM((n_groups, _R), jnp.int32),
            pltpu.VMEM((_SLOTS * _R, _EMBED), jnp.float32),
            pltpu.SemaphoreType.DMA,
            pltpu.SemaphoreType.DMA,
        ],
    )


def kernel(indices, table):
    b, s = indices.shape
    n = b * s
    n_groups = n // (_NW * _R)
    idx = indices.reshape(_NW, n_groups, _R).astype(jnp.int32)
    out = _make_emb(table.shape[0], n_groups)(table, idx)
    return out.reshape(b, s, _EMBED)

# --- scband reference (transcript-rebuilt; emitter-appended) ---
"""Pipeline reference for scband-model-embeddings-26027501814493 (READ-ONLY COPY).

The authoritative reference and input builder live on the scoring server;
editing this copy changes nothing except your own understanding.
"""

import jax, jax.numpy as jnp
import numpy as np

PAD_IDX = 0
VOCAB = 1000000
EMBED = 64
BATCH = 16384
SEQ = 50


def setup_inputs(seed: int = 0) -> dict:
    key = jax.random.key(seed)
    k1, k2 = jax.random.split(key)
    indices = jax.random.randint(k1, (BATCH, SEQ), 0, VOCAB)
    table = jax.random.normal(k2, (VOCAB, EMBED), dtype=jnp.float32)
    return {"indices": indices, "table": table}


def reference(indices, table):
    # nn.Embedding(len(vocab.tgt), embed_size, padding_idx=tgt_pad_token_idx)
    # padding_idx row produces a zero embedding
    table_pad = table.at[PAD_IDX].set(0.0)
    out = jnp.take(table_pad, indices, axis=0)
    return out

if __name__ == "__main__":
    import jax
    _d = setup_inputs()
    print(jax.jit(kernel)(*tuple(_d.values())))

</pallas_src>

<mosaic_0001>
#map = affine_map<(d0, d1) -> (0, 0)>
#map1 = affine_map<(d0, d1) -> (0, 0, 0)>
module attributes {stable_mosaic.version = 14 : i64} {
  func.func @_emb_body(%arg0: i32, %arg1: i32, %arg2: memref<1000000x64xf32, #tpu.memory_space<hbm>>, %arg3: memref<32x200x128xi32, #tpu.memory_space<hbm>>, %arg4: memref<819200x64xf32, #tpu.memory_space<hbm>>, %arg5: memref<200x128xi32, #tpu.memory_space<vmem>>, %arg6: memref<1024x64xf32, #tpu.memory_space<vmem>>, %arg7: memref<!tpu.dma_semaphore, #tpu.memory_space<semaphore_mem>>, %arg8: memref<!tpu.dma_semaphore, #tpu.memory_space<semaphore_mem>>) attributes {dimension_semantics = [#tpu.dimension_semantics<core_parallel>, #tpu.dimension_semantics<subcore_parallel>], iteration_bounds = array<i64: 2, 16>, scalar_prefetch = 0 : i64, scratch_operands = 4 : i64, tpu.core_type = #tpu.core_type<sc_vector_subcore>, window_params = [{transform_indices = #map}, {transform_indices = #map1}, {transform_indices = #map}]} {
    %mul3A = arith.constant 2 : i32
    %mul3A_0 = arith.muli %arg1, %mul3A : i32
    %add3A = arith.addi %mul3A_0, %arg0 : i32
    %mul3A_1 = arith.constant 25600 : i32
    %mul3A_2 = arith.muli %add3A, %mul3A_1 : i32
    "tpu.region"() ({
      %run_scoped3A = tpu.sem_alloc : memref<!tpu.dma_semaphore, #tpu.memory_space<semaphore_mem>>
      %dma_start3A_174 = arith.constant 0 : i32
      %dma_start3A_175 = arith.constant 0 : i32
      %dma_start3A_176 = tpu.memref_slice %arg3[%add3A, %dma_start3A_174, %dma_start3A_175] : memref<32x200x128xi32, #tpu.memory_space<hbm>> -> memref<1x200x128xi32, #tpu.memory_space<hbm>>
      %dma_start3A_177 = tpu.memref_squeeze %dma_start3A_176 : memref<1x200x128xi32, #tpu.memory_space<hbm>> -> memref<200x128xi32, #tpu.memory_space<hbm>>
      %dma_start3A_178 = arith.constant 0 : i32
      %dma_start3A_179 = arith.constant 0 : i32
      %dma_start3A_180 = tpu.memref_slice %arg3[%add3A, %dma_start3A_178, %dma_start3A_179] : memref<32x200x128xi32, #tpu.memory_space<hbm>> -> memref<1x200x128xi32, #tpu.memory_space<hbm>>
      %dma_start3A_181 = tpu.memref_squeeze %dma_start3A_180 : memref<1x200x128xi32, #tpu.memory_space<hbm>> -> memref<200x128xi32, #tpu.memory_space<hbm>>
      tpu.enqueue_dma source(%dma_start3A_181 : memref<200x128xi32, #tpu.memory_space<hbm>>) target(%arg5 : memref<200x128xi32, #tpu.memory_space<vmem>>) target_semaphore(%run_scoped3A : memref<!tpu.dma_semaphore, #tpu.memory_space<semaphore_mem>>)
      %dma_wait3A_182 = arith.constant 0 : i32
      %dma_wait3A_183 = arith.constant 0 : i32
      %dma_wait3A_184 = tpu.memref_slice %arg3[%add3A, %dma_wait3A_182, %dma_wait3A_183] : memref<32x200x128xi32, #tpu.memory_space<hbm>> -> memref<1x200x128xi32, #tpu.memory_space<hbm>>
      %dma_wait3A_185 = tpu.memref_squeeze %dma_wait3A_184 : memref<1x200x128xi32, #tpu.memory_space<hbm>> -> memref<200x128xi32, #tpu.memory_space<hbm>>
      %dma_wait3A_186 = arith.constant 0 : i32
      %dma_wait3A_187 = arith.constant 0 : i32
      %dma_wait3A_188 = tpu.memref_slice %arg3[%add3A, %dma_wait3A_186, %dma_wait3A_187] : memref<32x200x128xi32, #tpu.memory_space<hbm>> -> memref<1x200x128xi32, #tpu.memory_space<hbm>>
      %dma_wait3A_189 = tpu.memref_squeeze %dma_wait3A_188 : memref<1x200x128xi32, #tpu.memory_space<hbm>> -> memref<200x128xi32, #tpu.memory_space<hbm>>
      tpu.wait_dma2 semaphore(%run_scoped3A : memref<!tpu.dma_semaphore, #tpu.memory_space<semaphore_mem>>) src(%dma_wait3A_189 : memref<200x128xi32, #tpu.memory_space<hbm>>) dst(%arg5 : memref<200x128xi32, #tpu.memory_space<vmem>>)
      tpu.yield
    }) : () -> ()
    %broadcast_in_dim3A = arith.constant 1 : i32
    %broadcast_in_dim3A_3 = vector.broadcast %broadcast_in_dim3A : i32 to vector<16xi32>
    %broadcast_in_dim3A_4 = arith.constant 0 : i32
    %broadcast_in_dim3A_5 = vector.broadcast %broadcast_in_dim3A_4 : i32 to vector<16xi32>
    %broadcast_in_dim3A_6 = arith.constant 0.000000e+00 : f32
    %broadcast_in_dim3A_7 = vector.broadcast %broadcast_in_dim3A_6 : f32 to vector<16xf32>
    %rem3A = arith.constant 0 : i32
    %rem3A_8 = arith.constant 8 : i32
    %rem3A_9 = arith.remsi %rem3A, %rem3A_8 : i32
    %mul3A_10 = arith.constant 128 : i32
    %mul3A_11 = arith.muli %rem3A_9, %mul3A_10 : i32
    %dma_start3A = arith.constant 0 : i32
    %dma_start3A_12 = arith.constant 0 : i32
    %dma_start3A_13 = tpu.memref_slice %arg6[%mul3A_11, %dma_start3A_12] : memref<1024x64xf32, #tpu.memory_space<vmem>> -> memref<128x64xf32, #tpu.memory_space<vmem>>
    %dma_start3A_14 = arith.constant 0 : i32
    %dma_start3A_15 = tpu.memref_slice %arg5[%dma_start3A, %dma_start3A_14] : memref<200x128xi32, #tpu.memory_space<vmem>> -> memref<1x128xi32, #tpu.memory_space<vmem>>
    %dma_start3A_16 = tpu.memref_squeeze %dma_start3A_15 : memref<1x128xi32, #tpu.memory_space<vmem>> -> memref<128xi32, #tpu.memory_space<vmem>>
    %dma_start3A_17 = arith.constant 0 : i32
    %dma_start3A_18 = arith.constant 0 : i32
    %dma_start3A_19 = tpu.memref_slice %arg2[%dma_start3A_17, %dma_start3A_18] : memref<1000000x64xf32, #tpu.memory_space<hbm>> -> memref<1000000x64xf32, #tpu.memory_space<hbm>>
    tpu.enqueue_indirect_dma source(%dma_start3A_19 : memref<1000000x64xf32, #tpu.memory_space<hbm>>) target(%dma_start3A_13 : memref<128x64xf32, #tpu.memory_space<vmem>>) offsets(%dma_start3A_16 : memref<128xi32, #tpu.memory_space<vmem>>) semaphore(%arg7 : memref<!tpu.dma_semaphore, #tpu.memory_space<semaphore_mem>>)
    %rem3A_20 = arith.constant 1 : i32
    %rem3A_21 = arith.constant 8 : i32
    %rem3A_22 = arith.remsi %rem3A_20, %rem3A_21 : i32
    %mul3A_23 = arith.constant 128 : i32
    %mul3A_24 = arith.muli %rem3A_22, %mul3A_23 : i32
    %dma_start3A_25 = arith.constant 1 : i32
    %dma_start3A_26 = arith.constant 0 : i32
    %dma_start3A_27 = tpu.memref_slice %arg6[%mul3A_24, %dma_start3A_26] : memref<1024x64xf32, #tpu.memory_space<vmem>> -> memref<128x64xf32, #tpu.memory_space<vmem>>
    %dma_start3A_28 = arith.constant 0 : i32
    %dma_start3A_29 = tpu.memref_slice %arg5[%dma_start3A_25, %dma_start3A_28] : memref<200x128xi32, #tpu.memory_space<vmem>> -> memref<1x128xi32, #tpu.memory_space<vmem>>
    %dma_start3A_30 = tpu.memref_squeeze %dma_start3A_29 : memref<1x128xi32, #tpu.memory_space<vmem>> -> memref<128xi32, #tpu.memory_space<vmem>>
    %dma_start3A_31 = arith.constant 0 : i32
    %dma_start3A_32 = arith.constant 0 : i32
    %dma_start3A_33 = tpu.memref_slice %arg2[%dma_start3A_31, %dma_start3A_32] : memref<1000000x64xf32, #tpu.memory_space<hbm>> -> memref<1000000x64xf32, #tpu.memory_space<hbm>>
    tpu.enqueue_indirect_dma source(%dma_start3A_33 : memref<1000000x64xf32, #tpu.memory_space<hbm>>) target(%dma_start3A_27 : memref<128x64xf32, #tpu.memory_space<vmem>>) offsets(%dma_start3A_30 : memref<128xi32, #tpu.memory_space<vmem>>) semaphore(%arg7 : memref<!tpu.dma_semaphore, #tpu.memory_space<semaphore_mem>>)
    %rem3A_34 = arith.constant 2 : i32
    %rem3A_35 = arith.constant 8 : i32
    %rem3A_36 = arith.remsi %rem3A_34, %rem3A_35 : i32
    %mul3A_37 = arith.constant 128 : i32
    %mul3A_38 = arith.muli %rem3A_36, %mul3A_37 : i32
    %dma_start3A_39 = arith.constant 2 : i32
    %dma_start3A_40 = arith.constant 0 : i32
    %dma_start3A_41 = tpu.memref_slice %arg6[%mul3A_38, %dma_start3A_40] : memref<1024x64xf32, #tpu.memory_space<vmem>> -> memref<128x64xf32, #tpu.memory_space<vmem>>
    %dma_start3A_42 = arith.constant 0 : i32
    %dma_start3A_43 = tpu.memref_slice %arg5[%dma_start3A_39, %dma_start3A_42] : memref<200x128xi32, #tpu.memory_space<vmem>> -> memref<1x128xi32, #tpu.memory_space<vmem>>
    %dma_start3A_44 = tpu.memref_squeeze %dma_start3A_43 : memref<1x128xi32, #tpu.memory_space<vmem>> -> memref<128xi32, #tpu.memory_space<vmem>>
    %dma_start3A_45 = arith.constant 0 : i32
    %dma_start3A_46 = arith.constant 0 : i32
    %dma_start3A_47 = tpu.memref_slice %arg2[%dma_start3A_45, %dma_start3A_46] : memref<1000000x64xf32, #tpu.memory_space<hbm>> -> memref<1000000x64xf32, #tpu.memory_space<hbm>>
    tpu.enqueue_indirect_dma source(%dma_start3A_47 : memref<1000000x64xf32, #tpu.memory_space<hbm>>) target(%dma_start3A_41 : memref<128x64xf32, #tpu.memory_space<vmem>>) offsets(%dma_start3A_44 : memref<128xi32, #tpu.memory_space<vmem>>) semaphore(%arg7 : memref<!tpu.dma_semaphore, #tpu.memory_space<semaphore_mem>>)
    %rem3A_48 = arith.constant 3 : i32
    %rem3A_49 = arith.constant 8 : i32
    %rem3A_50 = arith.remsi %rem3A_48, %rem3A_49 : i32
    %mul3A_51 = arith.constant 128 : i32
    %mul3A_52 = arith.muli %rem3A_50, %mul3A_51 : i32
    %dma_start3A_53 = arith.constant 3 : i32
    %dma_start3A_54 = arith.constant 0 : i32
    %dma_start3A_55 = tpu.memref_slice %arg6[%mul3A_52, %dma_start3A_54] : memref<1024x64xf32, #tpu.memory_space<vmem>> -> memref<128x64xf32, #tpu.memory_space<vmem>>
    %dma_start3A_56 = arith.constant 0 : i32
    %dma_start3A_57 = tpu.memref_slice %arg5[%dma_start3A_53, %dma_start3A_56] : memref<200x128xi32, #tpu.memory_space<vmem>> -> memref<1x128xi32, #tpu.memory_space<vmem>>
    %dma_start3A_58 = tpu.memref_squeeze %dma_start3A_57 : memref<1x128xi32, #tpu.memory_space<vmem>> -> memref<128xi32, #tpu.memory_space<vmem>>
    %dma_start3A_59 = arith.constant 0 : i32
    %dma_start3A_60 = arith.constant 0 : i32
    %dma_start3A_61 = tpu.memref_slice %arg2[%dma_start3A_59, %dma_start3A_60] : memref<1000000x64xf32, #tpu.memory_space<hbm>> -> memref<1000000x64xf32, #tpu.memory_space<hbm>>
    tpu.enqueue_indirect_dma source(%dma_start3A_61 : memref<1000000x64xf32, #tpu.memory_space<hbm>>) target(%dma_start3A_55 : memref<128x64xf32, #tpu.memory_space<vmem>>) offsets(%dma_start3A_58 : memref<128xi32, #tpu.memory_space<vmem>>) semaphore(%arg7 : memref<!tpu.dma_semaphore, #tpu.memory_space<semaphore_mem>>)
    %rem3A_62 = arith.constant 4 : i32
    %rem3A_63 = arith.constant 8 : i32
    %rem3A_64 = arith.remsi %rem3A_62, %rem3A_63 : i32
    %mul3A_65 = arith.constant 128 : i32
    %mul3A_66 = arith.muli %rem3A_64, %mul3A_65 : i32
    %dma_start3A_67 = arith.constant 4 : i32
    %dma_start3A_68 = arith.constant 0 : i32
    %dma_start3A_69 = tpu.memref_slice %arg6[%mul3A_66, %dma_start3A_68] : memref<1024x64xf32, #tpu.memory_space<vmem>> -> memref<128x64xf32, #tpu.memory_space<vmem>>
    %dma_start3A_70 = arith.constant 0 : i32
    %dma_start3A_71 = tpu.memref_slice %arg5[%dma_start3A_67, %dma_start3A_70] : memref<200x128xi32, #tpu.memory_space<vmem>> -> memref<1x128xi32, #tpu.memory_space<vmem>>
    %dma_start3A_72 = tpu.memref_squeeze %dma_start3A_71 : memref<1x128xi32, #tpu.memory_space<vmem>> -> memref<128xi32, #tpu.memory_space<vmem>>
    %dma_start3A_73 = arith.constant 0 : i32
    %dma_start3A_74 = arith.constant 0 : i32
    %dma_start3A_75 = tpu.memref_slice %arg2[%dma_start3A_73, %dma_start3A_74] : memref<1000000x64xf32, #tpu.memory_space<hbm>> -> memref<1000000x64xf32, #tpu.memory_space<hbm>>
    tpu.enqueue_indirect_dma source(%dma_start3A_75 : memref<1000000x64xf32, #tpu.memory_space<hbm>>) target(%dma_start3A_69 : memref<128x64xf32, #tpu.memory_space<vmem>>) offsets(%dma_start3A_72 : memref<128xi32, #tpu.memory_space<vmem>>) semaphore(%arg7 : memref<!tpu.dma_semaphore, #tpu.memory_space<semaphore_mem>>)
    %rem3A_76 = arith.constant 5 : i32
    %rem3A_77 = arith.constant 8 : i32
    %rem3A_78 = arith.remsi %rem3A_76, %rem3A_77 : i32
    %mul3A_79 = arith.constant 128 : i32
    %mul3A_80 = arith.muli %rem3A_78, %mul3A_79 : i32
    %dma_start3A_81 = arith.constant 5 : i32
    %dma_start3A_82 = arith.constant 0 : i32
    %dma_start3A_83 = tpu.memref_slice %arg6[%mul3A_80, %dma_start3A_82] : memref<1024x64xf32, #tpu.memory_space<vmem>> -> memref<128x64xf32, #tpu.memory_space<vmem>>
    %dma_start3A_84 = arith.constant 0 : i32
    %dma_start3A_85 = tpu.memref_slice %arg5[%dma_start3A_81, %dma_start3A_84] : memref<200x128xi32, #tpu.memory_space<vmem>> -> memref<1x128xi32, #tpu.memory_space<vmem>>
    %dma_start3A_86 = tpu.memref_squeeze %dma_start3A_85 : memref<1x128xi32, #tpu.memory_space<vmem>> -> memref<128xi32, #tpu.memory_space<vmem>>
    %dma_start3A_87 = arith.constant 0 : i32
    %dma_start3A_88 = arith.constant 0 : i32
    %dma_start3A_89 = tpu.memref_slice %arg2[%dma_start3A_87, %dma_start3A_88] : memref<1000000x64xf32, #tpu.memory_space<hbm>> -> memref<1000000x64xf32, #tpu.memory_space<hbm>>
    tpu.enqueue_indirect_dma source(%dma_start3A_89 : memref<1000000x64xf32, #tpu.memory_space<hbm>>) target(%dma_start3A_83 : memref<128x64xf32, #tpu.memory_space<vmem>>) offsets(%dma_start3A_86 : memref<128xi32, #tpu.memory_space<vmem>>) semaphore(%arg7 : memref<!tpu.dma_semaphore, #tpu.memory_space<semaphore_mem>>)
    %scan3A = arith.constant 0 : i32
    %scan3A_90 = arith.constant 0 : i32
    %scan3A_91 = arith.constant 200 : i32
    %scan3A_92 = arith.addi %scan3A_90, %scan3A_91 : i32
    %scan3A_93 = arith.constant 1 : i32
    scf.for %scan3A_174 = %scan3A_90 to %scan3A_92 step %scan3A_93  : i32 {
      %rem3A_175 = arith.constant 8 : i32
      %rem3A_176 = arith.remsi %scan3A_174, %rem3A_175 : i32
      %mul3A_177 = arith.constant 128 : i32
      %mul3A_178 = arith.muli %rem3A_176, %mul3A_177 : i32
      %dma_wait3A_179 = arith.constant 0 : i32
      %dma_wait3A_180 = tpu.memref_slice %arg6[%mul3A_178, %dma_wait3A_179] : memref<1024x64xf32, #tpu.memory_space<vmem>> -> memref<128x64xf32, #tpu.memory_space<vmem>>
      %dma_wait3A_181 = arith.constant 0 : i32
      %dma_wait3A_182 = tpu.memref_slice %arg5[%scan3A_174, %dma_wait3A_181] : memref<200x128xi32, #tpu.memory_space<vmem>> -> memref<1x128xi32, #tpu.memory_space<vmem>>
      %dma_wait3A_183 = tpu.memref_squeeze %dma_wait3A_182 : memref<1x128xi32, #tpu.memory_space<vmem>> -> memref<128xi32, #tpu.memory_space<vmem>>
      %dma_wait3A_184 = arith.constant 0 : i32
      %dma_wait3A_185 = arith.constant 0 : i32
      %dma_wait3A_186 = tpu.memref_slice %arg2[%dma_wait3A_184, %dma_wait3A_185] : memref<1000000x64xf32, #tpu.memory_space<hbm>> -> memref<1000000x64xf32, #tpu.memory_space<hbm>>
      tpu.wait_indirect_dma semaphore(%arg7 : memref<!tpu.dma_semaphore, #tpu.memory_space<semaphore_mem>>) src(%dma_wait3A_186 : memref<1000000x64xf32, #tpu.memory_space<hbm>>) dst(%dma_wait3A_180 : memref<128x64xf32, #tpu.memory_space<vmem>>)
      %rem3A_187 = arith.constant 8 : i32
      %rem3A_188 = arith.remsi %scan3A_174, %rem3A_187 : i32
      %get3A = arith.index_cast %scan3A_174 : i32 to index
      %get3A_189 = arith.constant 0 : index
      %get3A_190 = tpu.vector_load %arg5[%get3A, %get3A_189] {strides = array<i32>} : memref<200x128xi32, #tpu.memory_space<vmem>>, vector<1x16xi32>,
      %get3A_191 = vector.shape_cast %get3A_190 : vector<1x16xi32> to vector<16xi32>
      %eq3A = arith.constant 0 : i32
      %eq3A_192 = vector.broadcast %eq3A : i32 to vector<16xi32>
      %eq3A_193 = arith.cmpi eq, %get3A_191, %eq3A_192 : vector<16xi32>
      %select_n3A = arith.select %eq3A_193, %broadcast_in_dim3A_3, %broadcast_in_dim3A_5 : vector<16xi1>, vector<16xi32>
      %or3A = arith.ori %broadcast_in_dim3A_5, %select_n3A : vector<16xi32>
      %get3A_194 = arith.index_cast %scan3A_174 : i32 to index
      %get3A_195 = arith.constant 16 : index
      %get3A_196 = tpu.vector_load %arg5[%get3A_194, %get3A_195] {strides = array<i32>} : memref<200x128xi32, #tpu.memory_space<vmem>>, vector<1x16xi32>,
      %get3A_197 = vector.shape_cast %get3A_196 : vector<1x16xi32> to vector<16xi32>
      %eq3A_198 = arith.constant 0 : i32
      %eq3A_199 = vector.broadcast %eq3A_198 : i32 to vector<16xi32>
      %eq3A_200 = arith.cmpi eq, %get3A_197, %eq3A_199 : vector<16xi32>
      %select_n3A_201 = arith.select %eq3A_200, %broadcast_in_dim3A_3, %broadcast_in_dim3A_5 : vector<16xi1>, vector<16xi32>
      %or3A_202 = arith.ori %or3A, %select_n3A_201 : vector<16xi32>
      %get3A_203 = arith.index_cast %scan3A_174 : i32 to index
      %get3A_204 = arith.constant 32 : index
      %get3A_205 = tpu.vector_load %arg5[%get3A_203, %get3A_204] {strides = array<i32>} : memref<200x128xi32, #tpu.memory_space<vmem>>, vector<1x16xi32>,
      %get3A_206 = vector.shape_cast %get3A_205 : vector<1x16xi32> to vector<16xi32>
      %eq3A_207 = arith.constant 0 : i32
      %eq3A_208 = vector.broadcast %eq3A_207 : i32 to vector<16xi32>
      %eq3A_209 = arith.cmpi eq, %get3A_206, %eq3A_208 : vector<16xi32>
      %select_n3A_210 = arith.select %eq3A_209, %broadcast_in_dim3A_3, %broadcast_in_dim3A_5 : vector<16xi1>, vector<16xi32>
      %or3A_211 = arith.ori %or3A_202, %select_n3A_210 : vector<16xi32>
      %get3A_212 = arith.index_cast %scan3A_174 : i32 to index
      %get3A_213 = arith.constant 48 : index
      %get3A_214 = tpu.vector_load %arg5[%get3A_212, %get3A_213] {strides = array<i32>} : memref<200x128xi32, #tpu.memory_space<vmem>>, vector<1x16xi32>,
      %get3A_215 = vector.shape_cast %get3A_214 : vector<1x16xi32> to vector<16xi32>
      %eq3A_216 = arith.constant 0 : i32
      %eq3A_217 = vector.broadcast %eq3A_216 : i32 to vector<16xi32>
      %eq3A_218 = arith.cmpi eq, %get3A_215, %eq3A_217 : vector<16xi32>
      %select_n3A_219 = arith.select %eq3A_218, %broadcast_in_dim3A_3, %broadcast_in_dim3A_5 : vector<16xi1>, vector<16xi32>
      %or3A_220 = arith.ori %or3A_211, %select_n3A_219 : vector<16xi32>
      %get3A_221 = arith.index_cast %scan3A_174 : i32 to index
      %get3A_222 = arith.constant 64 : index
      %get3A_223 = tpu.vector_load %arg5[%get3A_221, %get3A_222] {strides = array<i32>} : memref<200x128xi32, #tpu.memory_space<vmem>>, vector<1x16xi32>,
      %get3A_224 = vector.shape_cast %get3A_223 : vector<1x16xi32> to vector<16xi32>
      %eq3A_225 = arith.constant 0 : i32
      %eq3A_226 = vector.broadcast %eq3A_225 : i32 to vector<16xi32>
      %eq3A_227 = arith.cmpi eq, %get3A_224, %eq3A_226 : vector<16xi32>
      %select_n3A_228 = arith.select %eq3A_227, %broadcast_in_dim3A_3, %broadcast_in_dim3A_5 : vector<16xi1>, vector<16xi32>
      %or3A_229 = arith.ori %or3A_220, %select_n3A_228 : vector<16xi32>
      %get3A_230 = arith.index_cast %scan3A_174 : i32 to index
      %get3A_231 = arith.constant 80 : index
      %get3A_232 = tpu.vector_load %arg5[%get3A_230, %get3A_231] {strides = array<i32>} : memref<200x128xi32, #tpu.memory_space<vmem>>, vector<1x16xi32>,
      %get3A_233 = vector.shape_cast %get3A_232 : vector<1x16xi32> to vector<16xi32>
      %eq3A_234 = arith.constant 0 : i32
      %eq3A_235 = vector.broadcast %eq3A_234 : i32 to vector<16xi32>
      %eq3A_236 = arith.cmpi eq, %get3A_233, %eq3A_235 : vector<16xi32>
      %select_n3A_237 = arith.select %eq3A_236, %broadcast_in_dim3A_3, %broadcast_in_dim3A_5 : vector<16xi1>, vector<16xi32>
      %or3A_238 = arith.ori %or3A_229, %select_n3A_237 : vector<16xi32>
      %get3A_239 = arith.index_cast %scan3A_174 : i32 to index
      %get3A_240 = arith.constant 96 : index
      %get3A_241 = tpu.vector_load %arg5[%get3A_239, %get3A_240] {strides = array<i32>} : memref<200x128xi32, #tpu.memory_space<vmem>>, vector<1x16xi32>,
      %get3A_242 = vector.shape_cast %get3A_241 : vector<1x16xi32> to vector<16xi32>
      %eq3A_243 = arith.constant 0 : i32
      %eq3A_244 = vector.broadcast %eq3A_243 : i32 to vector<16xi32>
      %eq3A_245 = arith.cmpi eq, %get3A_242, %eq3A_244 : vector<16xi32>
      %select_n3A_246 = arith.select %eq3A_245, %broadcast_in_dim3A_3, %broadcast_in_dim3A_5 : vector<16xi1>, vector<16xi32>
      %or3A_247 = arith.ori %or3A_238, %select_n3A_246 : vector<16xi32>
      %get3A_248 = arith.index_cast %scan3A_174 : i32 to index
      %get3A_249 = arith.constant 112 : index
      %get3A_250 = tpu.vector_load %arg5[%get3A_248, %get3A_249] {strides = array<i32>} : memref<200x128xi32, #tpu.memory_space<vmem>>, vector<1x16xi32>,
      %get3A_251 = vector.shape_cast %get3A_250 : vector<1x16xi32> to vector<16xi32>
      %eq3A_252 = arith.constant 0 : i32
      %eq3A_253 = vector.broadcast %eq3A_252 : i32 to vector<16xi32>
      %eq3A_254 = arith.cmpi eq, %get3A_251, %eq3A_253 : vector<16xi32>
      %select_n3A_255 = arith.select %eq3A_254, %broadcast_in_dim3A_3, %broadcast_in_dim3A_5 : vector<16xi1>, vector<16xi32>
      %or3A_256 = arith.ori %or3A_247, %select_n3A_255 : vector<16xi32>
      %slice3A = vector.extract_strided_slice %or3A_256 {offsets = [0], sizes = [1], strides = [1]} : vector<16xi32> to vector<1xi32>
      %squeeze3A = vector.extract %slice3A[0] : i32 from vector<1xi32>
      %slice3A_257 = vector.extract_strided_slice %or3A_256 {offsets = [1], sizes = [1], strides = [1]} : vector<16xi32> to vector<1xi32>
      %squeeze3A_258 = vector.extract %slice3A_257[0] : i32 from vector<1xi32>
      %or3A_259 = arith.ori %squeeze3A, %squeeze3A_258 : i32
      %slice3A_260 = vector.extract_strided_slice %or3A_256 {offsets = [2], sizes = [1], strides = [1]} : vector<16xi32> to vector<1xi32>
      %squeeze3A_261 = vector.extract %slice3A_260[0] : i32 from vector<1xi32>
      %or3A_262 = arith.ori %or3A_259, %squeeze3A_261 : i32
      %slice3A_263 = vector.extract_strided_slice %or3A_256 {offsets = [3], sizes = [1], strides = [1]} : vector<16xi32> to vector<1xi32>
      %squeeze3A_264 = vector.extract %slice3A_263[0] : i32 from vector<1xi32>
      %or3A_265 = arith.ori %or3A_262, %squeeze3A_264 : i32
      %slice3A_266 = vector.extract_strided_slice %or3A_256 {offsets = [4], sizes = [1], strides = [1]} : vector<16xi32> to vector<1xi32>
      %squeeze3A_267 = vector.extract %slice3A_266[0] : i32 from vector<1xi32>
      %or3A_268 = arith.ori %or3A_265, %squeeze3A_267 : i32
      %slice3A_269 = vector.extract_strided_slice %or3A_256 {offsets = [5], sizes = [1], strides = [1]} : vector<16xi32> to vector<1xi32>
      %squeeze3A_270 = vector.extract %slice3A_269[0] : i32 from vector<1xi32>
      %or3A_271 = arith.ori %or3A_268, %squeeze3A_270 : i32
      %slice3A_272 = vector.extract_strided_slice %or3A_256 {offsets = [6], sizes = [1], strides = [1]} : vector<16xi32> to vector<1xi32>
      %squeeze3A_273 = vector.extract %slice3A_272[0] : i32 from vector<1xi32>
      %or3A_274 = arith.ori %or3A_271, %squeeze3A_273 : i32
      %slice3A_275 = vector.extract_strided_slice %or3A_256 {offsets = [7], sizes = [1], strides = [1]} : vector<16xi32> to vector<1xi32>
      %squeeze3A_276 = vector.extract %slice3A_275[0] : i32 from vector<1xi32>
      %or3A_277 = arith.ori %or3A_274, %squeeze3A_276 : i32
      %slice3A_278 = vector.extract_strided_slice %or3A_256 {offsets = [8], sizes = [1], strides = [1]} : vector<16xi32> to vector<1xi32>
      %squeeze3A_279 = vector.extract %slice3A_278[0] : i32 from vector<1xi32>
      %or3A_280 = arith.ori %or3A_277, %squeeze3A_279 : i32
      %slice3A_281 = vector.extract_strided_slice %or3A_256 {offsets = [9], sizes = [1], strides = [1]} : vector<16xi32> to vector<1xi32>
      %squeeze3A_282 = vector.extract %slice3A_281[0] : i32 from vector<1xi32>
      %or3A_283 = arith.ori %or3A_280, %squeeze3A_282 : i32
      %slice3A_284 = vector.extract_strided_slice %or3A_256 {offsets = [10], sizes = [1], strides = [1]} : vector<16xi32> to vector<1xi32>
      %squeeze3A_285 = vector.extract %slice3A_284[0] : i32 from vector<1xi32>
      %or3A_286 = arith.ori %or3A_283, %squeeze3A_285 : i32
      %slice3A_287 = vector.extract_strided_slice %or3A_256 {offsets = [11], sizes = [1], strides = [1]} : vector<16xi32> to vector<1xi32>
      %squeeze3A_288 = vector.extract %slice3A_287[0] : i32 from vector<1xi32>
      %or3A_289 = arith.ori %or3A_286, %squeeze3A_288 : i32
      %slice3A_290 = vector.extract_strided_slice %or3A_256 {offsets = [12], sizes = [1], strides = [1]} : vector<16xi32> to vector<1xi32>
      %squeeze3A_291 = vector.extract %slice3A_290[0] : i32 from vector<1xi32>
      %or3A_292 = arith.ori %or3A_289, %squeeze3A_291 : i32
      %slice3A_293 = vector.extract_strided_slice %or3A_256 {offsets = [13], sizes = [1], strides = [1]} : vector<16xi32> to vector<1xi32>
      %squeeze3A_294 = vector.extract %slice3A_293[0] : i32 from vector<1xi32>
      %or3A_295 = arith.ori %or3A_292, %squeeze3A_294 : i32
      %slice3A_296 = vector.extract_strided_slice %or3A_256 {offsets = [14], sizes = [1], strides = [1]} : vector<16xi32> to vector<1xi32>
      %squeeze3A_297 = vector.extract %slice3A_296[0] : i32 from vector<1xi32>
      %or3A_298 = arith.ori %or3A_295, %squeeze3A_297 : i32
      %slice3A_299 = vector.extract_strided_slice %or3A_256 {offsets = [15], sizes = [1], strides = [1]} : vector<16xi32> to vector<1xi32>
      %squeeze3A_300 = vector.extract %slice3A_299[0] : i32 from vector<1xi32>
      %or3A_301 = arith.ori %or3A_298, %squeeze3A_300 : i32
      %ne3A = arith.constant 0 : i32
      %ne3A_302 = arith.cmpi ne, %or3A_301, %ne3A : i32
      %convert_element_type3A = arith.extui %ne3A_302 : i1 to i32
      %cond3A = arith.constant 0 : i32
      %cond3A_303 = arith.cmpi ne, %convert_element_type3A, %cond3A : i32
      scf.if %cond3A_303 {
        %scan3A_325 = arith.constant 0 : i32
        %scan3A_326 = arith.constant 0 : i32
        %scan3A_327 = arith.constant 8 : i32
        %scan3A_328 = arith.addi %scan3A_326, %scan3A_327 : i32
        %scan3A_329 = arith.constant 1 : i32
        scf.for %scan3A_331 = %scan3A_326 to %scan3A_328 step %scan3A_329  : i32 {
          %mul3A_332 = arith.constant 16 : i32
          %mul3A_333 = arith.muli %scan3A_331, %mul3A_332 : i32
          %get3A_334 = arith.index_cast %scan3A_174 : i32 to index
          %get3A_335 = arith.index_cast %mul3A_333 : i32 to index
          %get3A_336 = tpu.vector_load %arg5[%get3A_334, %get3A_335] {strides = array<i32>} : memref<200x128xi32, #tpu.memory_space<vmem>>, vector<1x16xi32>,
          %get3A_337 = vector.shape_cast %get3A_336 : vector<1x16xi32> to vector<16xi32>
          %slice3A_338 = vector.extract_strided_slice %get3A_337 {offsets = [0], sizes = [1], strides = [1]} : vector<16xi32> to vector<1xi32>
          %squeeze3A_339 = vector.extract %slice3A_338[0] : i32 from vector<1xi32>
          %eq3A_340 = arith.constant 0 : i32
          %eq3A_341 = arith.cmpi eq, %squeeze3A_339, %eq3A_340 : i32
          %convert_element_type3A_342 = arith.extui %eq3A_341 : i1 to i32
          %cond3A_343 = arith.constant 0 : i32
          %cond3A_344 = arith.cmpi ne, %convert_element_type3A_342, %cond3A_343 : i32
          scf.if %cond3A_344 {
            %mul3A_450 = arith.constant 128 : i32
            %mul3A_451 = arith.muli %rem3A_188, %mul3A_450 : i32
            %mul3A_452 = arith.constant 16 : i32
            %mul3A_453 = arith.muli %scan3A_331, %mul3A_452 : i32
            %add3A_454 = arith.addi %mul3A_451, %mul3A_453 : i32
            %add3A_455 = arith.constant 0 : i32
            %add3A_456 = arith.addi %add3A_454, %add3A_455 : i32
            %swap3A = arith.index_cast %add3A_456 : i32 to index
            %swap3A_457 = arith.constant 0 : index
            %swap3A_458 = tpu.vector_load %arg6[%swap3A, %swap3A_457] {strides = array<i32>} : memref<1024x64xf32, #tpu.memory_space<vmem>>, vector<1x16xf32>,
            %swap3A_459 = vector.shape_cast %swap3A_458 : vector<1x16xf32> to vector<16xf32>
            %swap3A_460 = vector.shape_cast %broadcast_in_dim3A_7 : vector<16xf32> to vector<1x16xf32>
            tpu.vector_store %arg6[%swap3A, %swap3A_457], %swap3A_460 {strides = array<i32>} : memref<1024x64xf32, #tpu.memory_space<vmem>>, vector<1x16xf32>,
            %swap3A_461 = arith.index_cast %add3A_456 : i32 to index
            %swap3A_462 = arith.constant 16 : index
            %swap3A_463 = tpu.vector_load %arg6[%swap3A_461, %swap3A_462] {strides = array<i32>} : memref<1024x64xf32, #tpu.memory_space<vmem>>, vector<1x16xf32>,
            %swap3A_464 = vector.shape_cast %swap3A_463 : vector<1x16xf32> to vector<16xf32>
            %swap3A_465 = vector.shape_cast %broadcast_in_dim3A_7 : vector<16xf32> to vector<1x16xf32>
            tpu.vector_store %arg6[%swap3A_461, %swap3A_462], %swap3A_465 {strides = array<i32>} : memref<1024x64xf32, #tpu.memory_space<vmem>>, vector<1x16xf32>,
            %swap3A_466 = arith.index_cast %add3A_456 : i32 to index
            %swap3A_467 = arith.constant 32 : index
            %swap3A_468 = tpu.vector_load %arg6[%swap3A_466, %swap3A_467] {strides = array<i32>} : memref<1024x64xf32, #tpu.memory_space<vmem>>, vector<1x16xf32>,
            %swap3A_469 = vector.shape_cast %swap3A_468 : vector<1x16xf32> to vector<16xf32>
            %swap3A_470 = vector.shape_cast %broadcast_in_dim3A_7 : vector<16xf32> to vector<1x16xf32>
            tpu.vector_store %arg6[%swap3A_466, %swap3A_467], %swap3A_470 {strides = array<i32>} : memref<1024x64xf32, #tpu.memory_space<vmem>>, vector<1x16xf32>,
            %swap3A_471 = arith.index_cast %add3A_456 : i32 to index
            %swap3A_472 = arith.constant 48 : index
            %swap3A_473 = tpu.vector_load %arg6[%swap3A_471, %swap3A_472] {strides = array<i32>} : memref<1024x64xf32, #tpu.memory_space<vmem>>, vector<1x16xf32>,
            %swap3A_474 = vector.shape_cast %swap3A_473 : vector<1x16xf32> to vector<16xf32>
            %swap3A_475 = vector.shape_cast %broadcast_in_dim3A_7 : vector<16xf32> to vector<1x16xf32>
            tpu.vector_store %arg6[%swap3A_471, %swap3A_472], %swap3A_475 {strides = array<i32>} : memref<1024x64xf32, #tpu.memory_space<vmem>>, vector<1x16xf32>,
          } else {
          }
          %slice3A_345 = vector.extract_strided_slice %get3A_337 {offsets = [1], sizes = [1], strides = [1]} : vector<16xi32> to vector<1xi32>
          %squeeze3A_346 = vector.extract %slice3A_345[0] : i32 from vector<1xi32>
          %eq3A_347 = arith.constant 0 : i32
          %eq3A_348 = arith.cmpi eq, %squeeze3A_346, %eq3A_347 : i32
          %convert_element_type3A_349 = arith.extui %eq3A_348 : i1 to i32
          %cond3A_350 = arith.constant 0 : i32
          %cond3A_351 = arith.cmpi ne, %convert_element_type3A_349, %cond3A_350 : i32
          scf.if %cond3A_351 {
            %mul3A_450 = arith.constant 128 : i32
            %mul3A_451 = arith.muli %rem3A_188, %mul3A_450 : i32
            %mul3A_452 = arith.constant 16 : i32
            %mul3A_453 = arith.muli %scan3A_331, %mul3A_452 : i32
            %add3A_454 = arith.addi %mul3A_451, %mul3A_453 : i32
            %add3A_455 = arith.constant 1 : i32
            %add3A_456 = arith.addi %add3A_454, %add3A_455 : i32
            %swap3A = arith.index_cast %add3A_456 : i32 to index
            %swap3A_457 = arith.constant 0 : index
            %swap3A_458 = tpu.vector_load %arg6[%swap3A, %swap3A_457] {strides = array<i32>} : memref<1024x64xf32, #tpu.memory_space<vmem>>, vector<1x16xf32>,
            %swap3A_459 = vector.shape_cast %swap3A_458 : vector<1x16xf32> to vector<16xf32>
            %swap3A_460 = vector.shape_cast %broadcast_in_dim3A_7 : vector<16xf32> to vector<1x16xf32>
            tpu.vector_store %arg6[%swap3A, %swap3A_457], %swap3A_460 {strides = array<i32>} : memref<1024x64xf32, #tpu.memory_space<vmem>>, vector<1x16xf32>,
            %swap3A_461 = arith.index_cast %add3A_456 : i32 to index
            %swap3A_462 = arith.constant 16 : index
            %swap3A_463 = tpu.vector_load %arg6[%swap3A_461, %swap3A_462] {strides = array<i32>} : memref<1024x64xf32, #tpu.memory_space<vmem>>, vector<1x16xf32>,
            %swap3A_464 = vector.shape_cast %swap3A_463 : vector<1x16xf32> to vector<16xf32>
            %swap3A_465 = vector.shape_cast %broadcast_in_dim3A_7 : vector<16xf32> to vector<1x16xf32>
            tpu.vector_store %arg6[%swap3A_461, %swap3A_462], %swap3A_465 {strides = array<i32>} : memref<1024x64xf32, #tpu.memory_space<vmem>>, vector<1x16xf32>,
            %swap3A_466 = arith.index_cast %add3A_456 : i32 to index
            %swap3A_467 = arith.constant 32 : index
            %swap3A_468 = tpu.vector_load %arg6[%swap3A_466, %swap3A_467] {strides = array<i32>} : memref<1024x64xf32, #tpu.memory_space<vmem>>, vector<1x16xf32>,
            %swap3A_469 = vector.shape_cast %swap3A_468 : vector<1x16xf32> to vector<16xf32>
            %swap3A_470 = vector.shape_cast %broadcast_in_dim3A_7 : vector<16xf32> to vector<1x16xf32>
            tpu.vector_store %arg6[%swap3A_466, %swap3A_467], %swap3A_470 {strides = array<i32>} : memref<1024x64xf32, #tpu.memory_space<vmem>>, vector<1x16xf32>,
            %swap3A_471 = arith.index_cast %add3A_456 : i32 to index
            %swap3A_472 = arith.constant 48 : index
            %swap3A_473 = tpu.vector_load %arg6[%swap3A_471, %swap3A_472] {strides = array<i32>} : memref<1024x64xf32, #tpu.memory_space<vmem>>, vector<1x16xf32>,
            %swap3A_474 = vector.shape_cast %swap3A_473 : vector<1x16xf32> to vector<16xf32>
            %swap3A_475 = vector.shape_cast %broadcast_in_dim3A_7 : vector<16xf32> to vector<1x16xf32>
            tpu.vector_store %arg6[%swap3A_471, %swap3A_472], %swap3A_475 {strides = array<i32>} : memref<1024x64xf32, #tpu.memory_space<vmem>>, vector<1x16xf32>,
          } else {
          }
          %slice3A_352 = vector.extract_strided_slice %get3A_337 {offsets = [2], sizes = [1], strides = [1]} : vector<16xi32> to vector<1xi32>
          %squeeze3A_353 = vector.extract %slice3A_352[0] : i32 from vector<1xi32>
          %eq3A_354 = arith.constant 0 : i32
          %eq3A_355 = arith.cmpi eq, %squeeze3A_353, %eq3A_354 : i32
          %convert_element_type3A_356 = arith.extui %eq3A_355 : i1 to i32
          %cond3A_357 = arith.constant 0 : i32
          %cond3A_358 = arith.cmpi ne, %convert_element_type3A_356, %cond3A_357 : i32
          scf.if %cond3A_358 {
            %mul3A_450 = arith.constant 128 : i32
            %mul3A_451 = arith.muli %rem3A_188, %mul3A_450 : i32
            %mul3A_452 = arith.constant 16 : i32
            %mul3A_453 = arith.muli %scan3A_331, %mul3A_452 : i32
            %add3A_454 = arith.addi %mul3A_451, %mul3A_453 : i32
            %add3A_455 = arith.constant 2 : i32
            %add3A_456 = arith.addi %add3A_454, %add3A_455 : i32
            %swap3A = arith.index_cast %add3A_456 : i32 to index
            %swap3A_457 = arith.constant 0 : index
            %swap3A_458 = tpu.vector_load %arg6[%swap3A, %swap3A_457] {strides = array<i32>} : memref<1024x64xf32, #tpu.memory_space<vmem>>, vector<1x16xf32>,
            %swap3A_459 = vector.shape_cast %swap3A_458 : vector<1x16xf32> to vector<16xf32>
            %swap3A_460 = vector.shape_cast %broadcast_in_dim3A_7 : vector<16xf32> to vector<1x16xf32>
            tpu.vector_store %arg6[%swap3A, %swap3A_457], %swap3A_460 {strides = array<i32>} : memref<1024x64xf32, #tpu.memory_space<vmem>>, vector<1x16xf32>,
            %swap3A_461 = arith.index_cast %add3A_456 : i32 to index
            %swap3A_462 = arith.constant 16 : index
            %swap3A_463 = tpu.vector_load %arg6[%swap3A_461, %swap3A_462] {strides = array<i32>} : memref<1024x64xf32, #tpu.memory_space<vmem>>, vector<1x16xf32>,
            %swap3A_464 = vector.shape_cast %swap3A_463 : vector<1x16xf32> to vector<16xf32>
            %swap3A_465 = vector.shape_cast %broadcast_in_dim3A_7 : vector<16xf32> to vector<1x16xf32>
            tpu.vector_store %arg6[%swap3A_461, %swap3A_462], %swap3A_465 {strides = array<i32>} : memref<1024x64xf32, #tpu.memory_space<vmem>>, vector<1x16xf32>,
            %swap3A_466 = arith.index_cast %add3A_456 : i32 to index
            %swap3A_467 = arith.constant 32 : index
            %swap3A_468 = tpu.vector_load %arg6[%swap3A_466, %swap3A_467] {strides = array<i32>} : memref<1024x64xf32, #tpu.memory_space<vmem>>, vector<1x16xf32>,
            %swap3A_469 = vector.shape_cast %swap3A_468 : vector<1x16xf32> to vector<16xf32>
            %swap3A_470 = vector.shape_cast %broadcast_in_dim3A_7 : vector<16xf32> to vector<1x16xf32>
            tpu.vector_store %arg6[%swap3A_466, %swap3A_467], %swap3A_470 {strides = array<i32>} : memref<1024x64xf32, #tpu.memory_space<vmem>>, vector<1x16xf32>,
            %swap3A_471 = arith.index_cast %add3A_456 : i32 to index
            %swap3A_472 = arith.constant 48 : index
            %swap3A_473 = tpu.vector_load %arg6[%swap3A_471, %swap3A_472] {strides = array<i32>} : memref<1024x64xf32, #tpu.memory_space<vmem>>, vector<1x16xf32>,
            %swap3A_474 = vector.shape_cast %swap3A_473 : vector<1x16xf32> to vector<16xf32>
            %swap3A_475 = vector.shape_cast %broadcast_in_dim3A_7 : vector<16xf32> to vector<1x16xf32>
            tpu.vector_store %arg6[%swap3A_471, %swap3A_472], %swap3A_475 {strides = array<i32>} : memref<1024x64xf32, #tpu.memory_space<vmem>>, vector<1x16xf32>,
          } else {
          }
          %slice3A_359 = vector.extract_strided_slice %get3A_337 {offsets = [3], sizes = [1], strides = [1]} : vector<16xi32> to vector<1xi32>
          %squeeze3A_360 = vector.extract %slice3A_359[0] : i32 from vector<1xi32>
          %eq3A_361 = arith.constant 0 : i32
          %eq3A_362 = arith.cmpi eq, %squeeze3A_360, %eq3A_361 : i32
          %convert_element_type3A_363 = arith.extui %eq3A_362 : i1 to i32
          %cond3A_364 = arith.constant 0 : i32
          %cond3A_365 = arith.cmpi ne, %convert_element_type3A_363, %cond3A_364 : i32
          scf.if %cond3A_365 {
            %mul3A_450 = arith.constant 128 : i32
            %mul3A_451 = arith.muli %rem3A_188, %mul3A_450 : i32
            %mul3A_452 = arith.constant 16 : i32
            %mul3A_453 = arith.muli %scan3A_331, %mul3A_452 : i32
            %add3A_454 = arith.addi %mul3A_451, %mul3A_453 : i32
            %add3A_455 = arith.constant 3 : i32
            %add3A_456 = arith.addi %add3A_454, %add3A_455 : i32
            %swap3A = arith.index_cast %add3A_456 : i32 to index
            %swap3A_457 = arith.constant 0 : index
            %swap3A_458 = tpu.vector_load %arg6[%swap3A, %swap3A_457] {strides = array<i32>} : memref<1024x64xf32, #tpu.memory_space<vmem>>, vector<1x16xf32>,
            %swap3A_459 = vector.shape_cast %swap3A_458 : vector<1x16xf32> to vector<16xf32>
            %swap3A_460 = vector.shape_cast %broadcast_in_dim3A_7 : vector<16xf32> to vector<1x16xf32>
            tpu.vector_store %arg6[%swap3A, %swap3A_457], %swap3A_460 {strides = array<i32>} : memref<1024x64xf32, #tpu.memory_space<vmem>>, vector<1x16xf32>,
            %swap3A_461 = arith.index_cast %add3A_456 : i32 to index
            %swap3A_462 = arith.constant 16 : index
            %swap3A_463 = tpu.vector_load %arg6[%swap3A_461, %swap3A_462] {strides = array<i32>} : memref<1024x64xf32, #tpu.memory_space<vmem>>, vector<1x16xf32>,
            %swap3A_464 = vector.shape_cast %swap3A_463 : vector<1x16xf32> to vector<16xf32>
            %swap3A_465 = vector.shape_cast %broadcast_in_dim3A_7 : vector<16xf32> to vector<1x16xf32>
            tpu.vector_store %arg6[%swap3A_461, %swap3A_462], %swap3A_465 {strides = array<i32>} : memref<1024x64xf32, #tpu.memory_space<vmem>>, vector<1x16xf32>,
            %swap3A_466 = arith.index_cast %add3A_456 : i32 to index
            %swap3A_467 = arith.constant 32 : index
            %swap3A_468 = tpu.vector_load %arg6[%swap3A_466, %swap3A_467] {strides = array<i32>} : memref<1024x64xf32, #tpu.memory_space<vmem>>, vector<1x16xf32>,
            %swap3A_469 = vector.shape_cast %swap3A_468 : vector<1x16xf32> to vector<16xf32>
            %swap3A_470 = vector.shape_cast %broadcast_in_dim3A_7 : vector<16xf32> to vector<1x16xf32>
            tpu.vector_store %arg6[%swap3A_466, %swap3A_467], %swap3A_470 {strides = array<i32>} : memref<1024x64xf32, #tpu.memory_space<vmem>>, vector<1x16xf32>,
            %swap3A_471 = arith.index_cast %add3A_456 : i32 to index
            %swap3A_472 = arith.constant 48 : index
            %swap3A_473 = tpu.vector_load %arg6[%swap3A_471, %swap3A_472] {strides = array<i32>} : memref<1024x64xf32, #tpu.memory_space<vmem>>, vector<1x16xf32>,
            %swap3A_474 = vector.shape_cast %swap3A_473 : vector<1x16xf32> to vector<16xf32>
            %swap3A_475 = vector.shape_cast %broadcast_in_dim3A_7 : vector<16xf32> to vector<1x16xf32>
            tpu.vector_store %arg6[%swap3A_471, %swap3A_472], %swap3A_475 {strides = array<i32>} : memref<1024x64xf32, #tpu.memory_space<vmem>>, vector<1x16xf32>,
          } else {
          }
          %slice3A_366 = vector.extract_strided_slice %get3A_337 {offsets = [4], sizes = [1], strides = [1]} : vector<16xi32> to vector<1xi32>
          %squeeze3A_367 = vector.extract %slice3A_366[0] : i32 from vector<1xi32>
          %eq3A_368 = arith.constant 0 : i32
          %eq3A_369 = arith.cmpi eq, %squeeze3A_367, %eq3A_368 : i32
          %convert_element_type3A_370 = arith.extui %eq3A_369 : i1 to i32
          %cond3A_371 = arith.constant 0 : i32
          %cond3A_372 = arith.cmpi ne, %convert_element_type3A_370, %cond3A_371 : i32
          scf.if %cond3A_372 {
            %mul3A_450 = arith.constant 128 : i32
            %mul3A_451 = arith.muli %rem3A_188, %mul3A_450 : i32
            %mul3A_452 = arith.constant 16 : i32
            %mul3A_453 = arith.muli %scan3A_331, %mul3A_452 : i32
            %add3A_454 = arith.addi %mul3A_451, %mul3A_453 : i32
            %add3A_455 = arith.constant 4 : i32
            %add3A_456 = arith.addi %add3A_454, %add3A_455 : i32
            %swap3A = arith.index_cast %add3A_456 : i32 to index
            %swap3A_457 = arith.constant 0 : index
            %swap3A_458 = tpu.vector_load %arg6[%swap3A, %swap3A_457] {strides = array<i32>} : memref<1024x64xf32, #tpu.memory_space<vmem>>, vector<1x16xf32>,
            %swap3A_459 = vector.shape_cast %swap3A_458 : vector<1x16xf32> to vector<16xf32>
            %swap3A_460 = vector.shape_cast %broadcast_in_dim3A_7 : vector<16xf32> to vector<1x16xf32>
            tpu.vector_store %arg6[%swap3A, %swap3A_457], %swap3A_460 {strides = array<i32>} : memref<1024x64xf32, #tpu.memory_space<vmem>>, vector<1x16xf32>,
            %swap3A_461 = arith.index_cast %add3A_456 : i32 to index
            %swap3A_462 = arith.constant 16 : index
            %swap3A_463 = tpu.vector_load %arg6[%swap3A_461, %swap3A_462] {strides = array<i32>} : memref<1024x64xf32, #tpu.memory_space<vmem>>, vector<1x16xf32>,
            %swap3A_464 = vector.shape_cast %swap3A_463 : vector<1x16xf32> to vector<16xf32>
            %swap3A_465 = vector.shape_cast %broadcast_in_dim3A_7 : vector<16xf32> to vector<1x16xf32>
            tpu.vector_store %arg6[%swap3A_461, %swap3A_462], %swap3A_465 {strides = array<i32>} : memref<1024x64xf32, #tpu.memory_space<vmem>>, vector<1x16xf32>,
            %swap3A_466 = arith.index_cast %add3A_456 : i32 to index
            %swap3A_467 = arith.constant 32 : index
            %swap3A_468 = tpu.vector_load %arg6[%swap3A_466, %swap3A_467] {strides = array<i32>} : memref<1024x64xf32, #tpu.memory_space<vmem>>, vector<1x16xf32>,
            %swap3A_469 = vector.shape_cast %swap3A_468 : vector<1x16xf32> to vector<16xf32>
            %swap3A_470 = vector.shape_cast %broadcast_in_dim3A_7 : vector<16xf32> to vector<1x16xf32>
            tpu.vector_store %arg6[%swap3A_466, %swap3A_467], %swap3A_470 {strides = array<i32>} : memref<1024x64xf32, #tpu.memory_space<vmem>>, vector<1x16xf32>,
            %swap3A_471 = arith.index_cast %add3A_456 : i32 to index
            %swap3A_472 = arith.constant 48 : index
            %swap3A_473 = tpu.vector_load %arg6[%swap3A_471, %swap3A_472] {strides = array<i32>} : memref<1024x64xf32, #tpu.memory_space<vmem>>, vector<1x16xf32>,
            %swap3A_474 = vector.shape_cast %swap3A_473 : vector<1x16xf32> to vector<16xf32>
            %swap3A_475 = vector.shape_cast %broadcast_in_dim3A_7 : vector<16xf32> to vector<1x16xf32>
            tpu.vector_store %arg6[%swap3A_471, %swap3A_472], %swap3A_475 {strides = array<i32>} : memref<1024x64xf32, #tpu.memory_space<vmem>>, vector<1x16xf32>,
          } else {
          }
          %slice3A_373 = vector.extract_strided_slice %get3A_337 {offsets = [5], sizes = [1], strides = [1]} : vector<16xi32> to vector<1xi32>
          %squeeze3A_374 = vector.extract %slice3A_373[0] : i32 from vector<1xi32>
          %eq3A_375 = arith.constant 0 : i32
          %eq3A_376 = arith.cmpi eq, %squeeze3A_374, %eq3A_375 : i32
          %convert_element_type3A_377 = arith.extui %eq3A_376 : i1 to i32
          %cond3A_378 = arith.constant 0 : i32
          %cond3A_379 = arith.cmpi ne, %convert_element_type3A_377, %cond3A_378 : i32
          scf.if %cond3A_379 {
            %mul3A_450 = arith.constant 128 : i32
            %mul3A_451 = arith.muli %rem3A_188, %mul3A_450 : i32
            %mul3A_452 = arith.constant 16 : i32
            %mul3A_453 = arith.muli %scan3A_331, %mul3A_452 : i32
            %add3A_454 = arith.addi %mul3A_451, %mul3A_453 : i32
            %add3A_455 = arith.constant 5 : i32
            %add3A_456 = arith.addi %add3A_454, %add3A_455 : i32
            %swap3A = arith.index_cast %add3A_456 : i32 to index
            %swap3A_457 = arith.constant 0 : index
            %swap3A_458 = tpu.vector_load %arg6[%swap3A, %swap3A_457] {strides = array<i32>} : memref<1024x64xf32, #tpu.memory_space<vmem>>, vector<1x16xf32>,
            %swap3A_459 = vector.shape_cast %swap3A_458 : vector<1x16xf32> to vector<16xf32>
            %swap3A_460 = vector.shape_cast %broadcast_in_dim3A_7 : vector<16xf32> to vector<1x16xf32>
            tpu.vector_store %arg6[%swap3A, %swap3A_457], %swap3A_460 {strides = array<i32>} : memref<1024x64xf32, #tpu.memory_space<vmem>>, vector<1x16xf32>,
            %swap3A_461 = arith.index_cast %add3A_456 : i32 to index
            %swap3A_462 = arith.constant 16 : index
            %swap3A_463 = tpu.vector_load %arg6[%swap3A_461, %swap3A_462] {strides = array<i32>} : memref<1024x64xf32, #tpu.memory_space<vmem>>, vector<1x16xf32>,
            %swap3A_464 = vector.shape_cast %swap3A_463 : vector<1x16xf32> to vector<16xf32>
            %swap3A_465 = vector.shape_cast %broadcast_in_dim3A_7 : vector<16xf32> to vector<1x16xf32>
            tpu.vector_store %arg6[%swap3A_461, %swap3A_462], %swap3A_465 {strides = array<i32>} : memref<1024x64xf32, #tpu.memory_space<vmem>>, vector<1x16xf32>,
            %swap3A_466 = arith.index_cast %add3A_456 : i32 to index
            %swap3A_467 = arith.constant 32 : index
            %swap3A_468 = tpu.vector_load %arg6[%swap3A_466, %swap3A_467] {strides = array<i32>} : memref<1024x64xf32, #tpu.memory_space<vmem>>, vector<1x16xf32>,
            %swap3A_469 = vector.shape_cast %swap3A_468 : vector<1x16xf32> to vector<16xf32>
            %swap3A_470 = vector.shape_cast %broadcast_in_dim3A_7 : vector<16xf32> to vector<1x16xf32>
            tpu.vector_store %arg6[%swap3A_466, %swap3A_467], %swap3A_470 {strides = array<i32>} : memref<1024x64xf32, #tpu.memory_space<vmem>>, vector<1x16xf32>,
            %swap3A_471 = arith.index_cast %add3A_456 : i32 to index
            %swap3A_472 = arith.constant 48 : index
            %swap3A_473 = tpu.vector_load %arg6[%swap3A_471, %swap3A_472] {strides = array<i32>} : memref<1024x64xf32, #tpu.memory_space<vmem>>, vector<1x16xf32>,
            %swap3A_474 = vector.shape_cast %swap3A_473 : vector<1x16xf32> to vector<16xf32>
            %swap3A_475 = vector.shape_cast %broadcast_in_dim3A_7 : vector<16xf32> to vector<1x16xf32>
            tpu.vector_store %arg6[%swap3A_471, %swap3A_472], %swap3A_475 {strides = array<i32>} : memref<1024x64xf32, #tpu.memory_space<vmem>>, vector<1x16xf32>,
          } else {
          }
          %slice3A_380 = vector.extract_strided_slice %get3A_337 {offsets = [6], sizes = [1], strides = [1]} : vector<16xi32> to vector<1xi32>
          %squeeze3A_381 = vector.extract %slice3A_380[0] : i32 from vector<1xi32>
          %eq3A_382 = arith.constant 0 : i32
          %eq3A_383 = arith.cmpi eq, %squeeze3A_381, %eq3A_382 : i32
          %convert_element_type3A_384 = arith.extui %eq3A_383 : i1 to i32
          %cond3A_385 = arith.constant 0 : i32
          %cond3A_386 = arith.cmpi ne, %convert_element_type3A_384, %cond3A_385 : i32
          scf.if %cond3A_386 {
            %mul3A_450 = arith.constant 128 : i32
            %mul3A_451 = arith.muli %rem3A_188, %mul3A_450 : i32
            %mul3A_452 = arith.constant 16 : i32
            %mul3A_453 = arith.muli %scan3A_331, %mul3A_452 : i32
            %add3A_454 = arith.addi %mul3A_451, %mul3A_453 : i32
            %add3A_455 = arith.constant 6 : i32
            %add3A_456 = arith.addi %add3A_454, %add3A_455 : i32
            %swap3A = arith.index_cast %add3A_456 : i32 to index
            %swap3A_457 = arith.constant 0 : index
            %swap3A_458 = tpu.vector_load %arg6[%swap3A, %swap3A_457] {strides = array<i32>} : memref<1024x64xf32, #tpu.memory_space<vmem>>, vector<1x16xf32>,
            %swap3A_459 = vector.shape_cast %swap3A_458 : vector<1x16xf32> to vector<16xf32>
            %swap3A_460 = vector.shape_cast %broadcast_in_dim3A_7 : vector<16xf32> to vector<1x16xf32>
            tpu.vector_store %arg6[%swap3A, %swap3A_457], %swap3A_460 {strides = array<i32>} : memref<1024x64xf32, #tpu.memory_space<vmem>>, vector<1x16xf32>,
            %swap3A_461 = arith.index_cast %add3A_456 : i32 to index
            %swap3A_462 = arith.constant 16 : index
            %swap3A_463 = tpu.vector_load %arg6[%swap3A_461, %swap3A_462] {strides = array<i32>} : memref<1024x64xf32, #tpu.memory_space<vmem>>, vector<1x16xf32>,
            %swap3A_464 = vector.shape_cast %swap3A_463 : vector<1x16xf32> to vector<16xf32>
            %swap3A_465 = vector.shape_cast %broadcast_in_dim3A_7 : vector<16xf32> to vector<1x16xf32>
            tpu.vector_store %arg6[%swap3A_461, %swap3A_462], %swap3A_465 {strides = array<i32>} : memref<1024x64xf32, #tpu.memory_space<vmem>>, vector<1x16xf32>,
            %swap3A_466 = arith.index_cast %add3A_456 : i32 to index
            %swap3A_467 = arith.constant 32 : index
            %swap3A_468 = tpu.vector_load %arg6[%swap3A_466, %swap3A_467] {strides = array<i32>} : memref<1024x64xf32, #tpu.memory_space<vmem>>, vector<1x16xf32>,
            %swap3A_469 = vector.shape_cast %swap3A_468 : vector<1x16xf32> to vector<16xf32>
            %swap3A_470 = vector.shape_cast %broadcast_in_dim3A_7 : vector<16xf32> to vector<1x16xf32>
            tpu.vector_store %arg6[%swap3A_466, %swap3A_467], %swap3A_470 {strides = array<i32>} : memref<1024x64xf32, #tpu.memory_space<vmem>>, vector<1x16xf32>,
            %swap3A_471 = arith.index_cast %add3A_456 : i32 to index
            %swap3A_472 = arith.constant 48 : index
            %swap3A_473 = tpu.vector_load %arg6[%swap3A_471, %swap3A_472] {strides = array<i32>} : memref<1024x64xf32, #tpu.memory_space<vmem>>, vector<1x16xf32>,
            %swap3A_474 = vector.shape_cast %swap3A_473 : vector<1x16xf32> to vector<16xf32>
            %swap3A_475 = vector.shape_cast %broadcast_in_dim3A_7 : vector<16xf32> to vector<1x16xf32>
            tpu.vector_store %arg6[%swap3A_471, %swap3A_472], %swap3A_475 {strides = array<i32>} : memref<1024x64xf32, #tpu.memory_space<vmem>>, vector<1x16xf32>,
          } else {
          }
          %slice3A_387 = vector.extract_strided_slice %get3A_337 {offsets = [7], sizes = [1], strides = [1]} : vector<16xi32> to vector<1xi32>
          %squeeze3A_388 = vector.extract %slice3A_387[0] : i32 from vector<1xi32>
          %eq3A_389 = arith.constant 0 : i32
          %eq3A_390 = arith.cmpi eq, %squeeze3A_388, %eq3A_389 : i32
          %convert_element_type3A_391 = arith.extui %eq3A_390 : i1 to i32
          %cond3A_392 = arith.constant 0 : i32
          %cond3A_393 = arith.cmpi ne, %convert_element_type3A_391, %cond3A_392 : i32
          scf.if %cond3A_393 {
            %mul3A_450 = arith.constant 128 : i32
            %mul3A_451 = arith.muli %rem3A_188, %mul3A_450 : i32
            %mul3A_452 = arith.constant 16 : i32
            %mul3A_453 = arith.muli %scan3A_331, %mul3A_452 : i32
            %add3A_454 = arith.addi %mul3A_451, %mul3A_453 : i32
            %add3A_455 = arith.constant 7 : i32
            %add3A_456 = arith.addi %add3A_454, %add3A_455 : i32
            %swap3A = arith.index_cast %add3A_456 : i32 to index
            %swap3A_457 = arith.constant 0 : index
            %swap3A_458 = tpu.vector_load %arg6[%swap3A, %swap3A_457] {strides = array<i32>} : memref<1024x64xf32, #tpu.memory_space<vmem>>, vector<1x16xf32>,
            %swap3A_459 = vector.shape_cast %swap3A_458 : vector<1x16xf32> to vector<16xf32>
            %swap3A_460 = vector.shape_cast %broadcast_in_dim3A_7 : vector<16xf32> to vector<1x16xf32>
            tpu.vector_store %arg6[%swap3A, %swap3A_457], %swap3A_460 {strides = array<i32>} : memref<1024x64xf32, #tpu.memory_space<vmem>>, vector<1x16xf32>,
            %swap3A_461 = arith.index_cast %add3A_456 : i32 to index
            %swap3A_462 = arith.constant 16 : index
            %swap3A_463 = tpu.vector_load %arg6[%swap3A_461, %swap3A_462] {strides = array<i32>} : memref<1024x64xf32, #tpu.memory_space<vmem>>, vector<1x16xf32>,
            %swap3A_464 = vector.shape_cast %swap3A_463 : vector<1x16xf32> to vector<16xf32>
            %swap3A_465 = vector.shape_cast %broadcast_in_dim3A_7 : vector<16xf32> to vector<1x16xf32>
            tpu.vector_store %arg6[%swap3A_461, %swap3A_462], %swap3A_465 {strides = array<i32>} : memref<1024x64xf32, #tpu.memory_space<vmem>>, vector<1x16xf32>,
            %swap3A_466 = arith.index_cast %add3A_456 : i32 to index
            %swap3A_467 = arith.constant 32 : index
            %swap3A_468 = tpu.vector_load %arg6[%swap3A_466, %swap3A_467] {strides = array<i32>} : memref<1024x64xf32, #tpu.memory_space<vmem>>, vector<1x16xf32>,
            %swap3A_469 = vector.shape_cast %swap3A_468 : vector<1x16xf32> to vector<16xf32>
            %swap3A_470 = vector.shape_cast %broadcast_in_dim3A_7 : vector<16xf32> to vector<1x16xf32>
            tpu.vector_store %arg6[%swap3A_466, %swap3A_467], %swap3A_470 {strides = array<i32>} : memref<1024x64xf32, #tpu.memory_space<vmem>>, vector<1x16xf32>,
            %swap3A_471 = arith.index_cast %add3A_456 : i32 to index
            %swap3A_472 = arith.constant 48 : index
            %swap3A_473 = tpu.vector_load %arg6[%swap3A_471, %swap3A_472] {strides = array<i32>} : memref<1024x64xf32, #tpu.memory_space<vmem>>, vector<1x16xf32>,
            %swap3A_474 = vector.shape_cast %swap3A_473 : vector<1x16xf32> to vector<16xf32>
            %swap3A_475 = vector.shape_cast %broadcast_in_dim3A_7 : vector<16xf32> to vector<1x16xf32>
            tpu.vector_store %arg6[%swap3A_471, %swap3A_472], %swap3A_475 {strides = array<i32>} : memref<1024x64xf32, #tpu.memory_space<vmem>>, vector<1x16xf32>,
          } else {
          }
          %slice3A_394 = vector.extract_strided_slice %get3A_337 {offsets = [8], sizes = [1], strides = [1]} : vector<16xi32> to vector<1xi32>
          %squeeze3A_395 = vector.extract %slice3A_394[0] : i32 from vector<1xi32>
          %eq3A_396 = arith.constant 0 : i32
          %eq3A_397 = arith.cmpi eq, %squeeze3A_395, %eq3A_396 : i32
          %convert_element_type3A_398 = arith.extui %eq3A_397 : i1 to i32
          %cond3A_399 = arith.constant 0 : i32
          %cond3A_400 = arith.cmpi ne, %convert_element_type3A_398, %cond3A_399 : i32
          scf.if %cond3A_400 {
            %mul3A_450 = arith.constant 128 : i32
            %mul3A_451 = arith.muli %rem3A_188, %mul3A_450 : i32
            %mul3A_452 = arith.constant 16 : i32
            %mul3A_453 = arith.muli %scan3A_331, %mul3A_452 : i32
            %add3A_454 = arith.addi %mul3A_451, %mul3A_453 : i32
            %add3A_455 = arith.constant 8 : i32
            %add3A_456 = arith.addi %add3A_454, %add3A_455 : i32
            %swap3A = arith.index_cast %add3A_456 : i32 to index
            %swap3A_457 = arith.constant 0 : index
            %swap3A_458 = tpu.vector_load %arg6[%swap3A, %swap3A_457] {strides = array<i32>} : memref<1024x64xf32, #tpu.memory_space<vmem>>, vector<1x16xf32>,
            %swap3A_459 = vector.shape_cast %swap3A_458 : vector<1x16xf32> to vector<16xf32>
            %swap3A_460 = vector.shape_cast %broadcast_in_dim3A_7 : vector<16xf32> to vector<1x16xf32>
            tpu.vector_store %arg6[%swap3A, %swap3A_457], %swap3A_460 {strides = array<i32>} : memref<1024x64xf32, #tpu.memory_space<vmem>>, vector<1x16xf32>,
            %swap3A_461 = arith.index_cast %add3A_456 : i32 to index
            %swap3A_462 = arith.constant 16 : index
            %swap3A_463 = tpu.vector_load %arg6[%swap3A_461, %swap3A_462] {strides = array<i32>} : memref<1024x64xf32, #tpu.memory_space<vmem>>, vector<1x16xf32>,
            %swap3A_464 = vector.shape_cast %swap3A_463 : vector<1x16xf32> to vector<16xf32>
            %swap3A_465 = vector.shape_cast %broadcast_in_dim3A_7 : vector<16xf32> to vector<1x16xf32>
            tpu.vector_store %arg6[%swap3A_461, %swap3A_462], %swap3A_465 {strides = array<i32>} : memref<1024x64xf32, #tpu.memory_space<vmem>>, vector<1x16xf32>,
            %swap3A_466 = arith.index_cast %add3A_456 : i32 to index
            %swap3A_467 = arith.constant 32 : index
            %swap3A_468 = tpu.vector_load %arg6[%swap3A_466, %swap3A_467] {strides = array<i32>} : memref<1024x64xf32, #tpu.memory_space<vmem>>, vector<1x16xf32>,
            %swap3A_469 = vector.shape_cast %swap3A_468 : vector<1x16xf32> to vector<16xf32>
            %swap3A_470 = vector.shape_cast %broadcast_in_dim3A_7 : vector<16xf32> to vector<1x16xf32>
            tpu.vector_store %arg6[%swap3A_466, %swap3A_467], %swap3A_470 {strides = array<i32>} : memref<1024x64xf32, #tpu.memory_space<vmem>>, vector<1x16xf32>,
            %swap3A_471 = arith.index_cast %add3A_456 : i32 to index
            %swap3A_472 = arith.constant 48 : index
            %swap3A_473 = tpu.vector_load %arg6[%swap3A_471, %swap3A_472] {strides = array<i32>} : memref<1024x64xf32, #tpu.memory_space<vmem>>, vector<1x16xf32>,
            %swap3A_474 = vector.shape_cast %swap3A_473 : vector<1x16xf32> to vector<16xf32>
            %swap3A_475 = vector.shape_cast %broadcast_in_dim3A_7 : vector<16xf32> to vector<1x16xf32>
            tpu.vector_store %arg6[%swap3A_471, %swap3A_472], %swap3A_475 {strides = array<i32>} : memref<1024x64xf32, #tpu.memory_space<vmem>>, vector<1x16xf32>,
          } else {
          }
          %slice3A_401 = vector.extract_strided_slice %get3A_337 {offsets = [9], sizes = [1], strides = [1]} : vector<16xi32> to vector<1xi32>
          %squeeze3A_402 = vector.extract %slice3A_401[0] : i32 from vector<1xi32>
          %eq3A_403 = arith.constant 0 : i32
          %eq3A_404 = arith.cmpi eq, %squeeze3A_402, %eq3A_403 : i32
          %convert_element_type3A_405 = arith.extui %eq3A_404 : i1 to i32
          %cond3A_406 = arith.constant 0 : i32
          %cond3A_407 = arith.cmpi ne, %convert_element_type3A_405, %cond3A_406 : i32
          scf.if %cond3A_407 {
            %mul3A_450 = arith.constant 128 : i32
            %mul3A_451 = arith.muli %rem3A_188, %mul3A_450 : i32
            %mul3A_452 = arith.constant 16 : i32
            %mul3A_453 = arith.muli %scan3A_331, %mul3A_452 : i32
            %add3A_454 = arith.addi %mul3A_451, %mul3A_453 : i32
            %add3A_455 = arith.constant 9 : i32
            %add3A_456 = arith.addi %add3A_454, %add3A_455 : i32
            %swap3A = arith.index_cast %add3A_456 : i32 to index
            %swap3A_457 = arith.constant 0 : index
            %swap3A_458 = tpu.vector_load %arg6[%swap3A, %swap3A_457] {strides = array<i32>} : memref<1024x64xf32, #tpu.memory_space<vmem>>, vector<1x16xf32>,
            %swap3A_459 = vector.shape_cast %swap3A_458 : vector<1x16xf32> to vector<16xf32>
            %swap3A_460 = vector.shape_cast %broadcast_in_dim3A_7 : vector<16xf32> to vector<1x16xf32>
            tpu.vector_store %arg6[%swap3A, %swap3A_457], %swap3A_460 {strides = array<i32>} : memref<1024x64xf32, #tpu.memory_space<vmem>>, vector<1x16xf32>,
            %swap3A_461 = arith.index_cast %add3A_456 : i32 to index
            %swap3A_462 = arith.constant 16 : index
            %swap3A_463 = tpu.vector_load %arg6[%swap3A_461, %swap3A_462] {strides = array<i32>} : memref<1024x64xf32, #tpu.memory_space<vmem>>, vector<1x16xf32>,
            %swap3A_464 = vector.shape_cast %swap3A_463 : vector<1x16xf32> to vector<16xf32>
            %swap3A_465 = vector.shape_cast %broadcast_in_dim3A_7 : vector<16xf32> to vector<1x16xf32>
            tpu.vector_store %arg6[%swap3A_461, %swap3A_462], %swap3A_465 {strides = array<i32>} : memref<1024x64xf32, #tpu.memory_space<vmem>>, vector<1x16xf32>,
            %swap3A_466 = arith.index_cast %add3A_456 : i32 to index
            %swap3A_467 = arith.constant 32 : index
            %swap3A_468 = tpu.vector_load %arg6[%swap3A_466, %swap3A_467] {strides = array<i32>} : memref<1024x64xf32, #tpu.memory_space<vmem>>, vector<1x16xf32>,
            %swap3A_469 = vector.shape_cast %swap3A_468 : vector<1x16xf32> to vector<16xf32>
            %swap3A_470 = vector.shape_cast %broadcast_in_dim3A_7 : vector<16xf32> to vector<1x16xf32>
            tpu.vector_store %arg6[%swap3A_466, %swap3A_467], %swap3A_470 {strides = array<i32>} : memref<1024x64xf32, #tpu.memory_space<vmem>>, vector<1x16xf32>,
            %swap3A_471 = arith.index_cast %add3A_456 : i32 to index
            %swap3A_472 = arith.constant 48 : index
            %swap3A_473 = tpu.vector_load %arg6[%swap3A_471, %swap3A_472] {strides = array<i32>} : memref<1024x64xf32, #tpu.memory_space<vmem>>, vector<1x16xf32>,
            %swap3A_474 = vector.shape_cast %swap3A_473 : vector<1x16xf32> to vector<16xf32>
            %swap3A_475 = vector.shape_cast %broadcast_in_dim3A_7 : vector<16xf32> to vector<1x16xf32>
            tpu.vector_store %arg6[%swap3A_471, %swap3A_472], %swap3A_475 {strides = array<i32>} : memref<1024x64xf32, #tpu.memory_space<vmem>>, vector<1x16xf32>,
          } else {
          }
          %slice3A_408 = vector.extract_strided_slice %get3A_337 {offsets = [10], sizes = [1], strides = [1]} : vector<16xi32> to vector<1xi32>
          %squeeze3A_409 = vector.extract %slice3A_408[0] : i32 from vector<1xi32>
          %eq3A_410 = arith.constant 0 : i32
          %eq3A_411 = arith.cmpi eq, %squeeze3A_409, %eq3A_410 : i32
          %convert_element_type3A_412 = arith.extui %eq3A_411 : i1 to i32
          %cond3A_413 = arith.constant 0 : i32
          %cond3A_414 = arith.cmpi ne, %convert_element_type3A_412, %cond3A_413 : i32
          scf.if %cond3A_414 {
            %mul3A_450 = arith.constant 128 : i32
            %mul3A_451 = arith.muli %rem3A_188, %mul3A_450 : i32
            %mul3A_452 = arith.constant 16 : i32
            %mul3A_453 = arith.muli %scan3A_331, %mul3A_452 : i32
            %add3A_454 = arith.addi %mul3A_451, %mul3A_453 : i32
            %add3A_455 = arith.constant 10 : i32
            %add3A_456 = arith.addi %add3A_454, %add3A_455 : i32
            %swap3A = arith.index_cast %add3A_456 : i32 to index
            %swap3A_457 = arith.constant 0 : index
            %swap3A_458 = tpu.vector_load %arg6[%swap3A, %swap3A_457] {strides = array<i32>} : memref<1024x64xf32, #tpu.memory_space<vmem>>, vector<1x16xf32>,
            %swap3A_459 = vector.shape_cast %swap3A_458 : vector<1x16xf32> to vector<16xf32>
            %swap3A_460 = vector.shape_cast %broadcast_in_dim3A_7 : vector<16xf32> to vector<1x16xf32>
            tpu.vector_store %arg6[%swap3A, %swap3A_457], %swap3A_460 {strides = array<i32>} : memref<1024x64xf32, #tpu.memory_space<vmem>>, vector<1x16xf32>,
            %swap3A_461 = arith.index_cast %add3A_456 : i32 to index
            %swap3A_462 = arith.constant 16 : index
            %swap3A_463 = tpu.vector_load %arg6[%swap3A_461, %swap3A_462] {strides = array<i32>} : memref<1024x64xf32, #tpu.memory_space<vmem>>, vector<1x16xf32>,
            %swap3A_464 = vector.shape_cast %swap3A_463 : vector<1x16xf32> to vector<16xf32>
            %swap3A_465 = vector.shape_cast %broadcast_in_dim3A_7 : vector<16xf32> to vector<1x16xf32>
            tpu.vector_store %arg6[%swap3A_461, %swap3A_462], %swap3A_465 {strides = array<i32>} : memref<1024x64xf32, #tpu.memory_space<vmem>>, vector<1x16xf32>,
            %swap3A_466 = arith.index_cast %add3A_456 : i32 to index
            %swap3A_467 = arith.constant 32 : index
            %swap3A_468 = tpu.vector_load %arg6[%swap3A_466, %swap3A_467] {strides = array<i32>} : memref<1024x64xf32, #tpu.memory_space<vmem>>, vector<1x16xf32>,
            %swap3A_469 = vector.shape_cast %swap3A_468 : vector<1x16xf32> to vector<16xf32>
            %swap3A_470 = vector.shape_cast %broadcast_in_dim3A_7 : vector<16xf32> to vector<1x16xf32>
            tpu.vector_store %arg6[%swap3A_466, %swap3A_467], %swap3A_470 {strides = array<i32>} : memref<1024x64xf32, #tpu.memory_space<vmem>>, vector<1x16xf32>,
            %swap3A_471 = arith.index_cast %add3A_456 : i32 to index
            %swap3A_472 = arith.constant 48 : index
            %swap3A_473 = tpu.vector_load %arg6[%swap3A_471, %swap3A_472] {strides = array<i32>} : memref<1024x64xf32, #tpu.memory_space<vmem>>, vector<1x16xf32>,
            %swap3A_474 = vector.shape_cast %swap3A_473 : vector<1x16xf32> to vector<16xf32>
            %swap3A_475 = vector.shape_cast %broadcast_in_dim3A_7 : vector<16xf32> to vector<1x16xf32>
            tpu.vector_store %arg6[%swap3A_471, %swap3A_472], %swap3A_475 {strides = array<i32>} : memref<1024x64xf32, #tpu.memory_space<vmem>>, vector<1x16xf32>,
          } else {
          }
          %slice3A_415 = vector.extract_strided_slice %get3A_337 {offsets = [11], sizes = [1], strides = [1]} : vector<16xi32> to vector<1xi32>
          %squeeze3A_416 = vector.extract %slice3A_415[0] : i32 from vector<1xi32>
          %eq3A_417 = arith.constant 0 : i32
          %eq3A_418 = arith.cmpi eq, %squeeze3A_416, %eq3A_417 : i32
          %convert_element_type3A_419 = arith.extui %eq3A_418 : i1 to i32
          %cond3A_420 = arith.constant 0 : i32
          %cond3A_421 = arith.cmpi ne, %convert_element_type3A_419, %cond3A_420 : i32
          scf.if %cond3A_421 {
            %mul3A_450 = arith.constant 128 : i32
            %mul3A_451 = arith.muli %rem3A_188, %mul3A_450 : i32
            %mul3A_452 = arith.constant 16 : i32
            %mul3A_453 = arith.muli %scan3A_331, %mul3A_452 : i32
            %add3A_454 = arith.addi %mul3A_451, %mul3A_453 : i32
            %add3A_455 = arith.constant 11 : i32
            %add3A_456 = arith.addi %add3A_454, %add3A_455 : i32
            %swap3A = arith.index_cast %add3A_456 : i32 to index
            %swap3A_457 = arith.constant 0 : index
            %swap3A_458 = tpu.vector_load %arg6[%swap3A, %swap3A_457] {strides = array<i32>} : memref<1024x64xf32, #tpu.memory_space<vmem>>, vector<1x16xf32>,
            %swap3A_459 = vector.shape_cast %swap3A_458 : vector<1x16xf32> to vector<16xf32>
            %swap3A_460 = vector.shape_cast %broadcast_in_dim3A_7 : vector<16xf32> to vector<1x16xf32>
            tpu.vector_store %arg6[%swap3A, %swap3A_457], %swap3A_460 {strides = array<i32>} : memref<1024x64xf32, #tpu.memory_space<vmem>>, vector<1x16xf32>,
            %swap3A_461 = arith.index_cast %add3A_456 : i32 to index
            %swap3A_462 = arith.constant 16 : index
            %swap3A_463 = tpu.vector_load %arg6[%swap3A_461, %swap3A_462] {strides = array<i32>} : memref<1024x64xf32, #tpu.memory_space<vmem>>, vector<1x16xf32>,
            %swap3A_464 = vector.shape_cast %swap3A_463 : vector<1x16xf32> to vector<16xf32>
            %swap3A_465 = vector.shape_cast %broadcast_in_dim3A_7 : vector<16xf32> to vector<1x16xf32>
            tpu.vector_store %arg6[%swap3A_461, %swap3A_462], %swap3A_465 {strides = array<i32>} : memref<1024x64xf32, #tpu.memory_space<vmem>>, vector<1x16xf32>,
            %swap3A_466 = arith.index_cast %add3A_456 : i32 to index
            %swap3A_467 = arith.constant 32 : index
            %swap3A_468 = tpu.vector_load %arg6[%swap3A_466, %swap3A_467] {strides = array<i32>} : memref<1024x64xf32, #tpu.memory_space<vmem>>, vector<1x16xf32>,
            %swap3A_469 = vector.shape_cast %swap3A_468 : vector<1x16xf32> to vector<16xf32>
            %swap3A_470 = vector.shape_cast %broadcast_in_dim3A_7 : vector<16xf32> to vector<1x16xf32>
            tpu.vector_store %arg6[%swap3A_466, %swap3A_467], %swap3A_470 {strides = array<i32>} : memref<1024x64xf32, #tpu.memory_space<vmem>>, vector<1x16xf32>,
            %swap3A_471 = arith.index_cast %add3A_456 : i32 to index
            %swap3A_472 = arith.constant 48 : index
            %swap3A_473 = tpu.vector_load %arg6[%swap3A_471, %swap3A_472] {strides = array<i32>} : memref<1024x64xf32, #tpu.memory_space<vmem>>, vector<1x16xf32>,
            %swap3A_474 = vector.shape_cast %swap3A_473 : vector<1x16xf32> to vector<16xf32>
            %swap3A_475 = vector.shape_cast %broadcast_in_dim3A_7 : vector<16xf32> to vector<1x16xf32>
            tpu.vector_store %arg6[%swap3A_471, %swap3A_472], %swap3A_475 {strides = array<i32>} : memref<1024x64xf32, #tpu.memory_space<vmem>>, vector<1x16xf32>,
          } else {
          }
          %slice3A_422 = vector.extract_strided_slice %get3A_337 {offsets = [12], sizes = [1], strides = [1]} : vector<16xi32> to vector<1xi32>
          %squeeze3A_423 = vector.extract %slice3A_422[0] : i32 from vector<1xi32>
          %eq3A_424 = arith.constant 0 : i32
          %eq3A_425 = arith.cmpi eq, %squeeze3A_423, %eq3A_424 : i32
          %convert_element_type3A_426 = arith.extui %eq3A_425 : i1 to i32
          %cond3A_427 = arith.constant 0 : i32
          %cond3A_428 = arith.cmpi ne, %convert_element_type3A_426, %cond3A_427 : i32
          scf.if %cond3A_428 {
            %mul3A_450 = arith.constant 128 : i32
            %mul3A_451 = arith.muli %rem3A_188, %mul3A_450 : i32
            %mul3A_452 = arith.constant 16 : i32
            %mul3A_453 = arith.muli %scan3A_331, %mul3A_452 : i32
            %add3A_454 = arith.addi %mul3A_451, %mul3A_453 : i32
            %add3A_455 = arith.constant 12 : i32
            %add3A_456 = arith.addi %add3A_454, %add3A_455 : i32
            %swap3A = arith.index_cast %add3A_456 : i32 to index
            %swap3A_457 = arith.constant 0 : index
            %swap3A_458 = tpu.vector_load %arg6[%swap3A, %swap3A_457] {strides = array<i32>} : memref<1024x64xf32, #tpu.memory_space<vmem>>, vector<1x16xf32>,
            %swap3A_459 = vector.shape_cast %swap3A_458 : vector<1x16xf32> to vector<16xf32>
            %swap3A_460 = vector.shape_cast %broadcast_in_dim3A_7 : vector<16xf32> to vector<1x16xf32>
            tpu.vector_store %arg6[%swap3A, %swap3A_457], %swap3A_460 {strides = array<i32>} : memref<1024x64xf32, #tpu.memory_space<vmem>>, vector<1x16xf32>,
            %swap3A_461 = arith.index_cast %add3A_456 : i32 to index
            %swap3A_462 = arith.constant 16 : index
            %swap3A_463 = tpu.vector_load %arg6[%swap3A_461, %swap3A_462] {strides = array<i32>} : memref<1024x64xf32, #tpu.memory_space<vmem>>, vector<1x16xf32>,
            %swap3A_464 = vector.shape_cast %swap3A_463 : vector<1x16xf32> to vector<16xf32>
            %swap3A_465 = vector.shape_cast %broadcast_in_dim3A_7 : vector<16xf32> to vector<1x16xf32>
            tpu.vector_store %arg6[%swap3A_461, %swap3A_462], %swap3A_465 {strides = array<i32>} : memref<1024x64xf32, #tpu.memory_space<vmem>>, vector<1x16xf32>,
            %swap3A_466 = arith.index_cast %add3A_456 : i32 to index
            %swap3A_467 = arith.constant 32 : index
            %swap3A_468 = tpu.vector_load %arg6[%swap3A_466, %swap3A_467] {strides = array<i32>} : memref<1024x64xf32, #tpu.memory_space<vmem>>, vector<1x16xf32>,
            %swap3A_469 = vector.shape_cast %swap3A_468 : vector<1x16xf32> to vector<16xf32>
            %swap3A_470 = vector.shape_cast %broadcast_in_dim3A_7 : vector<16xf32> to vector<1x16xf32>
            tpu.vector_store %arg6[%swap3A_466, %swap3A_467], %swap3A_470 {strides = array<i32>} : memref<1024x64xf32, #tpu.memory_space<vmem>>, vector<1x16xf32>,
            %swap3A_471 = arith.index_cast %add3A_456 : i32 to index
            %swap3A_472 = arith.constant 48 : index
            %swap3A_473 = tpu.vector_load %arg6[%swap3A_471, %swap3A_472] {strides = array<i32>} : memref<1024x64xf32, #tpu.memory_space<vmem>>, vector<1x16xf32>,
            %swap3A_474 = vector.shape_cast %swap3A_473 : vector<1x16xf32> to vector<16xf32>
            %swap3A_475 = vector.shape_cast %broadcast_in_dim3A_7 : vector<16xf32> to vector<1x16xf32>
            tpu.vector_store %arg6[%swap3A_471, %swap3A_472], %swap3A_475 {strides = array<i32>} : memref<1024x64xf32, #tpu.memory_space<vmem>>, vector<1x16xf32>,
          } else {
          }
          %slice3A_429 = vector.extract_strided_slice %get3A_337 {offsets = [13], sizes = [1], strides = [1]} : vector<16xi32> to vector<1xi32>
          %squeeze3A_430 = vector.extract %slice3A_429[0] : i32 from vector<1xi32>
          %eq3A_431 = arith.constant 0 : i32
          %eq3A_432 = arith.cmpi eq, %squeeze3A_430, %eq3A_431 : i32
          %convert_element_type3A_433 = arith.extui %eq3A_432 : i1 to i32
          %cond3A_434 = arith.constant 0 : i32
          %cond3A_435 = arith.cmpi ne, %convert_element_type3A_433, %cond3A_434 : i32
          scf.if %cond3A_435 {
            %mul3A_450 = arith.constant 128 : i32
            %mul3A_451 = arith.muli %rem3A_188, %mul3A_450 : i32
            %mul3A_452 = arith.constant 16 : i32
            %mul3A_453 = arith.muli %scan3A_331, %mul3A_452 : i32
            %add3A_454 = arith.addi %mul3A_451, %mul3A_453 : i32
            %add3A_455 = arith.constant 13 : i32
            %add3A_456 = arith.addi %add3A_454, %add3A_455 : i32
            %swap3A = arith.index_cast %add3A_456 : i32 to index
            %swap3A_457 = arith.constant 0 : index
            %swap3A_458 = tpu.vector_load %arg6[%swap3A, %swap3A_457] {strides = array<i32>} : memref<1024x64xf32, #tpu.memory_space<vmem>>, vector<1x16xf32>,
            %swap3A_459 = vector.shape_cast %swap3A_458 : vector<1x16xf32> to vector<16xf32>
            %swap3A_460 = vector.shape_cast %broadcast_in_dim3A_7 : vector<16xf32> to vector<1x16xf32>
            tpu.vector_store %arg6[%swap3A, %swap3A_457], %swap3A_460 {strides = array<i32>} : memref<1024x64xf32, #tpu.memory_space<vmem>>, vector<1x16xf32>,
            %swap3A_461 = arith.index_cast %add3A_456 : i32 to index
            %swap3A_462 = arith.constant 16 : index
            %swap3A_463 = tpu.vector_load %arg6[%swap3A_461, %swap3A_462] {strides = array<i32>} : memref<1024x64xf32, #tpu.memory_space<vmem>>, vector<1x16xf32>,
            %swap3A_464 = vector.shape_cast %swap3A_463 : vector<1x16xf32> to vector<16xf32>
            %swap3A_465 = vector.shape_cast %broadcast_in_dim3A_7 : vector<16xf32> to vector<1x16xf32>
            tpu.vector_store %arg6[%swap3A_461, %swap3A_462], %swap3A_465 {strides = array<i32>} : memref<1024x64xf32, #tpu.memory_space<vmem>>, vector<1x16xf32>,
            %swap3A_466 = arith.index_cast %add3A_456 : i32 to index
            %swap3A_467 = arith.constant 32 : index
            %swap3A_468 = tpu.vector_load %arg6[%swap3A_466, %swap3A_467] {strides = array<i32>} : memref<1024x64xf32, #tpu.memory_space<vmem>>, vector<1x16xf32>,
            %swap3A_469 = vector.shape_cast %swap3A_468 : vector<1x16xf32> to vector<16xf32>
            %swap3A_470 = vector.shape_cast %broadcast_in_dim3A_7 : vector<16xf32> to vector<1x16xf32>
            tpu.vector_store %arg6[%swap3A_466, %swap3A_467], %swap3A_470 {strides = array<i32>} : memref<1024x64xf32, #tpu.memory_space<vmem>>, vector<1x16xf32>,
            %swap3A_471 = arith.index_cast %add3A_456 : i32 to index
            %swap3A_472 = arith.constant 48 : index
            %swap3A_473 = tpu.vector_load %arg6[%swap3A_471, %swap3A_472] {strides = array<i32>} : memref<1024x64xf32, #tpu.memory_space<vmem>>, vector<1x16xf32>,
            %swap3A_474 = vector.shape_cast %swap3A_473 : vector<1x16xf32> to vector<16xf32>
            %swap3A_475 = vector.shape_cast %broadcast_in_dim3A_7 : vector<16xf32> to vector<1x16xf32>
            tpu.vector_store %arg6[%swap3A_471, %swap3A_472], %swap3A_475 {strides = array<i32>} : memref<1024x64xf32, #tpu.memory_space<vmem>>, vector<1x16xf32>,
          } else {
          }
          %slice3A_436 = vector.extract_strided_slice %get3A_337 {offsets = [14], sizes = [1], strides = [1]} : vector<16xi32> to vector<1xi32>
          %squeeze3A_437 = vector.extract %slice3A_436[0] : i32 from vector<1xi32>
          %eq3A_438 = arith.constant 0 : i32
          %eq3A_439 = arith.cmpi eq, %squeeze3A_437, %eq3A_438 : i32
          %convert_element_type3A_440 = arith.extui %eq3A_439 : i1 to i32
          %cond3A_441 = arith.constant 0 : i32
          %cond3A_442 = arith.cmpi ne, %convert_element_type3A_440, %cond3A_441 : i32
          scf.if %cond3A_442 {
            %mul3A_450 = arith.constant 128 : i32
            %mul3A_451 = arith.muli %rem3A_188, %mul3A_450 : i32
            %mul3A_452 = arith.constant 16 : i32
            %mul3A_453 = arith.muli %scan3A_331, %mul3A_452 : i32
            %add3A_454 = arith.addi %mul3A_451, %mul3A_453 : i32
            %add3A_455 = arith.constant 14 : i32
            %add3A_456 = arith.addi %add3A_454, %add3A_455 : i32
            %swap3A = arith.index_cast %add3A_456 : i32 to index
            %swap3A_457 = arith.constant 0 : index
            %swap3A_458 = tpu.vector_load %arg6[%swap3A, %swap3A_457] {strides = array<i32>} : memref<1024x64xf32, #tpu.memory_space<vmem>>, vector<1x16xf32>,
            %swap3A_459 = vector.shape_cast %swap3A_458 : vector<1x16xf32> to vector<16xf32>
            %swap3A_460 = vector.shape_cast %broadcast_in_dim3A_7 : vector<16xf32> to vector<1x16xf32>
            tpu.vector_store %arg6[%swap3A, %swap3A_457], %swap3A_460 {strides = array<i32>} : memref<1024x64xf32, #tpu.memory_space<vmem>>, vector<1x16xf32>,
            %swap3A_461 = arith.index_cast %add3A_456 : i32 to index
            %swap3A_462 = arith.constant 16 : index
            %swap3A_463 = tpu.vector_load %arg6[%swap3A_461, %swap3A_462] {strides = array<i32>} : memref<1024x64xf32, #tpu.memory_space<vmem>>, vector<1x16xf32>,
            %swap3A_464 = vector.shape_cast %swap3A_463 : vector<1x16xf32> to vector<16xf32>
            %swap3A_465 = vector.shape_cast %broadcast_in_dim3A_7 : vector<16xf32> to vector<1x16xf32>
            tpu.vector_store %arg6[%swap3A_461, %swap3A_462], %swap3A_465 {strides = array<i32>} : memref<1024x64xf32, #tpu.memory_space<vmem>>, vector<1x16xf32>,
            %swap3A_466 = arith.index_cast %add3A_456 : i32 to index
            %swap3A_467 = arith.constant 32 : index
            %swap3A_468 = tpu.vector_load %arg6[%swap3A_466, %swap3A_467] {strides = array<i32>} : memref<1024x64xf32, #tpu.memory_space<vmem>>, vector<1x16xf32>,
            %swap3A_469 = vector.shape_cast %swap3A_468 : vector<1x16xf32> to vector<16xf32>
            %swap3A_470 = vector.shape_cast %broadcast_in_dim3A_7 : vector<16xf32> to vector<1x16xf32>
            tpu.vector_store %arg6[%swap3A_466, %swap3A_467], %swap3A_470 {strides = array<i32>} : memref<1024x64xf32, #tpu.memory_space<vmem>>, vector<1x16xf32>,
            %swap3A_471 = arith.index_cast %add3A_456 : i32 to index
            %swap3A_472 = arith.constant 48 : index
            %swap3A_473 = tpu.vector_load %arg6[%swap3A_471, %swap3A_472] {strides = array<i32>} : memref<1024x64xf32, #tpu.memory_space<vmem>>, vector<1x16xf32>,
            %swap3A_474 = vector.shape_cast %swap3A_473 : vector<1x16xf32> to vector<16xf32>
            %swap3A_475 = vector.shape_cast %broadcast_in_dim3A_7 : vector<16xf32> to vector<1x16xf32>
            tpu.vector_store %arg6[%swap3A_471, %swap3A_472], %swap3A_475 {strides = array<i32>} : memref<1024x64xf32, #tpu.memory_space<vmem>>, vector<1x16xf32>,
          } else {
          }
          %slice3A_443 = vector.extract_strided_slice %get3A_337 {offsets = [15], sizes = [1], strides = [1]} : vector<16xi32> to vector<1xi32>
          %squeeze3A_444 = vector.extract %slice3A_443[0] : i32 from vector<1xi32>
          %eq3A_445 = arith.constant 0 : i32
          %eq3A_446 = arith.cmpi eq, %squeeze3A_444, %eq3A_445 : i32
          %convert_element_type3A_447 = arith.extui %eq3A_446 : i1 to i32
          %cond3A_448 = arith.constant 0 : i32
          %cond3A_449 = arith.cmpi ne, %convert_element_type3A_447, %cond3A_448 : i32
          scf.if %cond3A_449 {
            %mul3A_450 = arith.constant 128 : i32
            %mul3A_451 = arith.muli %rem3A_188, %mul3A_450 : i32
            %mul3A_452 = arith.constant 16 : i32
            %mul3A_453 = arith.muli %scan3A_331, %mul3A_452 : i32
            %add3A_454 = arith.addi %mul3A_451, %mul3A_453 : i32
            %add3A_455 = arith.constant 15 : i32
            %add3A_456 = arith.addi %add3A_454, %add3A_455 : i32
            %swap3A = arith.index_cast %add3A_456 : i32 to index
            %swap3A_457 = arith.constant 0 : index
            %swap3A_458 = tpu.vector_load %arg6[%swap3A, %swap3A_457] {strides = array<i32>} : memref<1024x64xf32, #tpu.memory_space<vmem>>, vector<1x16xf32>,
            %swap3A_459 = vector.shape_cast %swap3A_458 : vector<1x16xf32> to vector<16xf32>
            %swap3A_460 = vector.shape_cast %broadcast_in_dim3A_7 : vector<16xf32> to vector<1x16xf32>
            tpu.vector_store %arg6[%swap3A, %swap3A_457], %swap3A_460 {strides = array<i32>} : memref<1024x64xf32, #tpu.memory_space<vmem>>, vector<1x16xf32>,
            %swap3A_461 = arith.index_cast %add3A_456 : i32 to index
            %swap3A_462 = arith.constant 16 : index
            %swap3A_463 = tpu.vector_load %arg6[%swap3A_461, %swap3A_462] {strides = array<i32>} : memref<1024x64xf32, #tpu.memory_space<vmem>>, vector<1x16xf32>,
            %swap3A_464 = vector.shape_cast %swap3A_463 : vector<1x16xf32> to vector<16xf32>
            %swap3A_465 = vector.shape_cast %broadcast_in_dim3A_7 : vector<16xf32> to vector<1x16xf32>
            tpu.vector_store %arg6[%swap3A_461, %swap3A_462], %swap3A_465 {strides = array<i32>} : memref<1024x64xf32, #tpu.memory_space<vmem>>, vector<1x16xf32>,
            %swap3A_466 = arith.index_cast %add3A_456 : i32 to index
            %swap3A_467 = arith.constant 32 : index
            %swap3A_468 = tpu.vector_load %arg6[%swap3A_466, %swap3A_467] {strides = array<i32>} : memref<1024x64xf32, #tpu.memory_space<vmem>>, vector<1x16xf32>,
            %swap3A_469 = vector.shape_cast %swap3A_468 : vector<1x16xf32> to vector<16xf32>
            %swap3A_470 = vector.shape_cast %broadcast_in_dim3A_7 : vector<16xf32> to vector<1x16xf32>
            tpu.vector_store %arg6[%swap3A_466, %swap3A_467], %swap3A_470 {strides = array<i32>} : memref<1024x64xf32, #tpu.memory_space<vmem>>, vector<1x16xf32>,
            %swap3A_471 = arith.index_cast %add3A_456 : i32 to index
            %swap3A_472 = arith.constant 48 : index
            %swap3A_473 = tpu.vector_load %arg6[%swap3A_471, %swap3A_472] {strides = array<i32>} : memref<1024x64xf32, #tpu.memory_space<vmem>>, vector<1x16xf32>,
            %swap3A_474 = vector.shape_cast %swap3A_473 : vector<1x16xf32> to vector<16xf32>
            %swap3A_475 = vector.shape_cast %broadcast_in_dim3A_7 : vector<16xf32> to vector<1x16xf32>
            tpu.vector_store %arg6[%swap3A_471, %swap3A_472], %swap3A_475 {strides = array<i32>} : memref<1024x64xf32, #tpu.memory_space<vmem>>, vector<1x16xf32>,
          } else {
          }
        }
        %scan3A_330 = arith.constant 8 : i32
      } else {
      }
      %rem3A_304 = arith.constant 8 : i32
      %rem3A_305 = arith.remsi %scan3A_174, %rem3A_304 : i32
      %mul3A_306 = arith.constant 128 : i32
      %mul3A_307 = arith.muli %rem3A_305, %mul3A_306 : i32
      %mul3A_308 = arith.constant 128 : i32
      %mul3A_309 = arith.muli %scan3A_174, %mul3A_308 : i32
      %add3A_310 = arith.addi %mul3A_2, %mul3A_309 : i32
      %dma_start3A_311 = arith.constant 0 : i32
      %dma_start3A_312 = tpu.memref_slice %arg6[%mul3A_307, %dma_start3A_311] : memref<1024x64xf32, #tpu.memory_space<vmem>> -> memref<128x64xf32, #tpu.memory_space<vmem>>
      %dma_start3A_313 = arith.constant 0 : i32
      %dma_start3A_314 = tpu.memref_slice %arg4[%add3A_310, %dma_start3A_313] : memref<819200x64xf32, #tpu.memory_space<hbm>> -> memref<128x64xf32, #tpu.memory_space<hbm>>
      %dma_start3A_315 = arith.constant 0 : i32
      %dma_start3A_316 = tpu.memref_slice %arg4[%add3A_310, %dma_start3A_315] : memref<819200x64xf32, #tpu.memory_space<hbm>> -> memref<128x64xf32, #tpu.memory_space<hbm>>
      %dma_start3A_317 = arith.constant 0 : i32
      %dma_start3A_318 = tpu.memref_slice %arg6[%mul3A_307, %dma_start3A_317] : memref<1024x64xf32, #tpu.memory_space<vmem>> -> memref<128x64xf32, #tpu.memory_space<vmem>>
      tpu.enqueue_dma source(%dma_start3A_318 : memref<128x64xf32, #tpu.memory_space<vmem>>) target(%dma_start3A_316 : memref<128x64xf32, #tpu.memory_space<hbm>>) target_semaphore(%arg8 : memref<!tpu.dma_semaphore, #tpu.memory_space<semaphore_mem>>)
      %add3A_319 = arith.constant 6 : i32
      %add3A_320 = arith.addi %scan3A_174, %add3A_319 : i32
      %lt3A = arith.constant 200 : i32
      %lt3A_321 = arith.cmpi slt, %add3A_320, %lt3A : i32
      %convert_element_type3A_322 = arith.extui %lt3A_321 : i1 to i32
      %cond3A_323 = arith.constant 0 : i32
      %cond3A_324 = arith.cmpi ne, %convert_element_type3A_322, %cond3A_323 : i32
      scf.if %cond3A_324 {
        %ge3A = arith.constant 2 : i32
        %ge3A_325 = arith.cmpi sge, %scan3A_174, %ge3A : i32
        %convert_element_type3A_326 = arith.extui %ge3A_325 : i1 to i32
        %cond3A_327 = arith.constant 0 : i32
        %cond3A_328 = arith.cmpi ne, %convert_element_type3A_326, %cond3A_327 : i32
        scf.if %cond3A_328 {
          %dma_wait3A_343 = arith.constant 0 : i32
          %dma_wait3A_344 = arith.constant 0 : i32
          %dma_wait3A_345 = tpu.memref_slice %arg6[%dma_wait3A_343, %dma_wait3A_344] : memref<1024x64xf32, #tpu.memory_space<vmem>> -> memref<128x64xf32, #tpu.memory_space<vmem>>
          %dma_wait3A_346 = arith.constant 0 : i32
          %dma_wait3A_347 = tpu.memref_slice %arg4[%mul3A_2, %dma_wait3A_346] : memref<819200x64xf32, #tpu.memory_space<hbm>> -> memref<128x64xf32, #tpu.memory_space<hbm>>
          %dma_wait3A_348 = arith.constant 0 : i32
          %dma_wait3A_349 = tpu.memref_slice %arg4[%mul3A_2, %dma_wait3A_348] : memref<819200x64xf32, #tpu.memory_space<hbm>> -> memref<128x64xf32, #tpu.memory_space<hbm>>
          %dma_wait3A_350 = arith.constant 0 : i32
          %dma_wait3A_351 = arith.constant 0 : i32
          %dma_wait3A_352 = tpu.memref_slice %arg6[%dma_wait3A_350, %dma_wait3A_351] : memref<1024x64xf32, #tpu.memory_space<vmem>> -> memref<128x64xf32, #tpu.memory_space<vmem>>
          tpu.wait_dma2 semaphore(%arg8 : memref<!tpu.dma_semaphore, #tpu.memory_space<semaphore_mem>>) src(%dma_wait3A_352 : memref<128x64xf32, #tpu.memory_space<vmem>>) dst(%dma_wait3A_349 : memref<128x64xf32, #tpu.memory_space<hbm>>)
        } else {
        }
        %add3A_329 = arith.constant 6 : i32
        %add3A_330 = arith.addi %scan3A_174, %add3A_329 : i32
        %rem3A_331 = arith.constant 8 : i32
        %rem3A_332 = arith.remsi %add3A_330, %rem3A_331 : i32
        %mul3A_333 = arith.constant 128 : i32
        %mul3A_334 = arith.muli %rem3A_332, %mul3A_333 : i32
        %dma_start3A_335 = arith.constant 0 : i32
        %dma_start3A_336 = tpu.memref_slice %arg6[%mul3A_334, %dma_start3A_335] : memref<1024x64xf32, #tpu.memory_space<vmem>> -> memref<128x64xf32, #tpu.memory_space<vmem>>
        %dma_start3A_337 = arith.constant 0 : i32
        %dma_start3A_338 = tpu.memref_slice %arg5[%add3A_330, %dma_start3A_337] : memref<200x128xi32, #tpu.memory_space<vmem>> -> memref<1x128xi32, #tpu.memory_space<vmem>>
        %dma_start3A_339 = tpu.memref_squeeze %dma_start3A_338 : memref<1x128xi32, #tpu.memory_space<vmem>> -> memref<128xi32, #tpu.memory_space<vmem>>
        %dma_start3A_340 = arith.constant 0 : i32
        %dma_start3A_341 = arith.constant 0 : i32
        %dma_start3A_342 = tpu.memref_slice %arg2[%dma_start3A_340, %dma_start3A_341] : memref<1000000x64xf32, #tpu.memory_space<hbm>> -> memref<1000000x64xf32, #tpu.memory_space<hbm>>
        tpu.enqueue_indirect_dma source(%dma_start3A_342 : memref<1000000x64xf32, #tpu.memory_space<hbm>>) target(%dma_start3A_336 : memref<128x64xf32, #tpu.memory_space<vmem>>) offsets(%dma_start3A_339 : memref<128xi32, #tpu.memory_space<vmem>>) semaphore(%arg7 : memref<!tpu.dma_semaphore, #tpu.memory_space<semaphore_mem>>)
      } else {
      }
    }
    %scan3A_94 = arith.constant 200 : i32
    %dma_wait3A = arith.constant 0 : i32
    %dma_wait3A_95 = arith.constant 0 : i32
    %dma_wait3A_96 = tpu.memref_slice %arg6[%dma_wait3A, %dma_wait3A_95] : memref<1024x64xf32, #tpu.memory_space<vmem>> -> memref<128x64xf32, #tpu.memory_space<vmem>>
    %dma_wait3A_97 = arith.constant 0 : i32
    %dma_wait3A_98 = tpu.memref_slice %arg4[%mul3A_2, %dma_wait3A_97] : memref<819200x64xf32, #tpu.memory_space<hbm>> -> memref<128x64xf32, #tpu.memory_space<hbm>>
    %dma_wait3A_99 = arith.constant 0 : i32
    %dma_wait3A_100 = tpu.memref_slice %arg4[%mul3A_2, %dma_wait3A_99] : memref<819200x64xf32, #tpu.memory_space<hbm>> -> memref<128x64xf32, #tpu.memory_space<hbm>>
    %dma_wait3A_101 = arith.constant 0 : i32
    %dma_wait3A_102 = arith.constant 0 : i32
    %dma_wait3A_103 = tpu.memref_slice %arg6[%dma_wait3A_101, %dma_wait3A_102] : memref<1024x64xf32, #tpu.memory_space<vmem>> -> memref<128x64xf32, #tpu.memory_space<vmem>>
    tpu.wait_dma2 semaphore(%arg8 : memref<!tpu.dma_semaphore, #tpu.memory_space<semaphore_mem>>) src(%dma_wait3A_103 : memref<128x64xf32, #tpu.memory_space<vmem>>) dst(%dma_wait3A_100 : memref<128x64xf32, #tpu.memory_space<hbm>>)
    %dma_wait3A_104 = arith.constant 0 : i32
    %dma_wait3A_105 = arith.constant 0 : i32
    %dma_wait3A_106 = tpu.memref_slice %arg6[%dma_wait3A_104, %dma_wait3A_105] : memref<1024x64xf32, #tpu.memory_space<vmem>> -> memref<128x64xf32, #tpu.memory_space<vmem>>
    %dma_wait3A_107 = arith.constant 0 : i32
    %dma_wait3A_108 = tpu.memref_slice %arg4[%mul3A_2, %dma_wait3A_107] : memref<819200x64xf32, #tpu.memory_space<hbm>> -> memref<128x64xf32, #tpu.memory_space<hbm>>
    %dma_wait3A_109 = arith.constant 0 : i32
    %dma_wait3A_110 = tpu.memref_slice %arg4[%mul3A_2, %dma_wait3A_109] : memref<819200x64xf32, #tpu.memory_space<hbm>> -> memref<128x64xf32, #tpu.memory_space<hbm>>
    %dma_wait3A_111 = arith.constant 0 : i32
    %dma_wait3A_112 = arith.constant 0 : i32
    %dma_wait3A_113 = tpu.memref_slice %arg6[%dma_wait3A_111, %dma_wait3A_112] : memref<1024x64xf32, #tpu.memory_space<vmem>> -> memref<128x64xf32, #tpu.memory_space<vmem>>
    tpu.wait_dma2 semaphore(%arg8 : memref<!tpu.dma_semaphore, #tpu.memory_space<semaphore_mem>>) src(%dma_wait3A_113 : memref<128x64xf32, #tpu.memory_space<vmem>>) dst(%dma_wait3A_110 : memref<128x64xf32, #tpu.memory_space<hbm>>)
    %dma_wait3A_114 = arith.constant 0 : i32
    %dma_wait3A_115 = arith.constant 0 : i32
    %dma_wait3A_116 = tpu.memref_slice %arg6[%dma_wait3A_114, %dma_wait3A_115] : memref<1024x64xf32, #tpu.memory_space<vmem>> -> memref<128x64xf32, #tpu.memory_space<vmem>>
    %dma_wait3A_117 = arith.constant 0 : i32
    %dma_wait3A_118 = tpu.memref_slice %arg4[%mul3A_2, %dma_wait3A_117] : memref<819200x64xf32, #tpu.memory_space<hbm>> -> memref<128x64xf32, #tpu.memory_space<hbm>>
    %dma_wait3A_119 = arith.constant 0 : i32
    %dma_wait3A_120 = tpu.memref_slice %arg4[%mul3A_2, %dma_wait3A_119] : memref<819200x64xf32, #tpu.memory_space<hbm>> -> memref<128x64xf32, #tpu.memory_space<hbm>>
    %dma_wait3A_121 = arith.constant 0 : i32
    %dma_wait3A_122 = arith.constant 0 : i32
    %dma_wait3A_123 = tpu.memref_slice %arg6[%dma_wait3A_121, %dma_wait3A_122] : memref<1024x64xf32, #tpu.memory_space<vmem>> -> memref<128x64xf32, #tpu.memory_space<vmem>>
    tpu.wait_dma2 semaphore(%arg8 : memref<!tpu.dma_semaphore, #tpu.memory_space<semaphore_mem>>) src(%dma_wait3A_123 : memref<128x64xf32, #tpu.memory_space<vmem>>) dst(%dma_wait3A_120 : memref<128x64xf32, #tpu.memory_space<hbm>>)
    %dma_wait3A_124 = arith.constant 0 : i32
    %dma_wait3A_125 = arith.constant 0 : i32
    %dma_wait3A_126 = tpu.memref_slice %arg6[%dma_wait3A_124, %dma_wait3A_125] : memref<1024x64xf32, #tpu.memory_space<vmem>> -> memref<128x64xf32, #tpu.memory_space<vmem>>
    %dma_wait3A_127 = arith.constant 0 : i32
    %dma_wait3A_128 = tpu.memref_slice %arg4[%mul3A_2, %dma_wait3A_127] : memref<819200x64xf32, #tpu.memory_space<hbm>> -> memref<128x64xf32, #tpu.memory_space<hbm>>
    %dma_wait3A_129 = arith.constant 0 : i32
    %dma_wait3A_130 = tpu.memref_slice %arg4[%mul3A_2, %dma_wait3A_129] : memref<819200x64xf32, #tpu.memory_space<hbm>> -> memref<128x64xf32, #tpu.memory_space<hbm>>
    %dma_wait3A_131 = arith.constant 0 : i32
    %dma_wait3A_132 = arith.constant 0 : i32
    %dma_wait3A_133 = tpu.memref_slice %arg6[%dma_wait3A_131, %dma_wait3A_132] : memref<1024x64xf32, #tpu.memory_space<vmem>> -> memref<128x64xf32, #tpu.memory_space<vmem>>
    tpu.wait_dma2 semaphore(%arg8 : memref<!tpu.dma_semaphore, #tpu.memory_space<semaphore_mem>>) src(%dma_wait3A_133 : memref<128x64xf32, #tpu.memory_space<vmem>>) dst(%dma_wait3A_130 : memref<128x64xf32, #tpu.memory_space<hbm>>)
    %dma_wait3A_134 = arith.constant 0 : i32
    %dma_wait3A_135 = arith.constant 0 : i32
    %dma_wait3A_136 = tpu.memref_slice %arg6[%dma_wait3A_134, %dma_wait3A_135] : memref<1024x64xf32, #tpu.memory_space<vmem>> -> memref<128x64xf32, #tpu.memory_space<vmem>>
    %dma_wait3A_137 = arith.constant 0 : i32
    %dma_wait3A_138 = tpu.memref_slice %arg4[%mul3A_2, %dma_wait3A_137] : memref<819200x64xf32, #tpu.memory_space<hbm>> -> memref<128x64xf32, #tpu.memory_space<hbm>>
    %dma_wait3A_139 = arith.constant 0 : i32
    %dma_wait3A_140 = tpu.memref_slice %arg4[%mul3A_2, %dma_wait3A_139] : memref<819200x64xf32, #tpu.memory_space<hbm>> -> memref<128x64xf32, #tpu.memory_space<hbm>>
    %dma_wait3A_141 = arith.constant 0 : i32
    %dma_wait3A_142 = arith.constant 0 : i32
    %dma_wait3A_143 = tpu.memref_slice %arg6[%dma_wait3A_141, %dma_wait3A_142] : memref<1024x64xf32, #tpu.memory_space<vmem>> -> memref<128x64xf32, #tpu.memory_space<vmem>>
    tpu.wait_dma2 semaphore(%arg8 : memref<!tpu.dma_semaphore, #tpu.memory_space<semaphore_mem>>) src(%dma_wait3A_143 : memref<128x64xf32, #tpu.memory_space<vmem>>) dst(%dma_wait3A_140 : memref<128x64xf32, #tpu.memory_space<hbm>>)
    %dma_wait3A_144 = arith.constant 0 : i32
    %dma_wait3A_145 = arith.constant 0 : i32
    %dma_wait3A_146 = tpu.memref_slice %arg6[%dma_wait3A_144, %dma_wait3A_145] : memref<1024x64xf32, #tpu.memory_space<vmem>> -> memref<128x64xf32, #tpu.memory_space<vmem>>
    %dma_wait3A_147 = arith.constant 0 : i32
    %dma_wait3A_148 = tpu.memref_slice %arg4[%mul3A_2, %dma_wait3A_147] : memref<819200x64xf32, #tpu.memory_space<hbm>> -> memref<128x64xf32, #tpu.memory_space<hbm>>
    %dma_wait3A_149 = arith.constant 0 : i32
    %dma_wait3A_150 = tpu.memref_slice %arg4[%mul3A_2, %dma_wait3A_149] : memref<819200x64xf32, #tpu.memory_space<hbm>> -> memref<128x64xf32, #tpu.memory_space<hbm>>
    %dma_wait3A_151 = arith.constant 0 : i32
    %dma_wait3A_152 = arith.constant 0 : i32
    %dma_wait3A_153 = tpu.memref_slice %arg6[%dma_wait3A_151, %dma_wait3A_152] : memref<1024x64xf32, #tpu.memory_space<vmem>> -> memref<128x64xf32, #tpu.memory_space<vmem>>
    tpu.wait_dma2 semaphore(%arg8 : memref<!tpu.dma_semaphore, #tpu.memory_space<semaphore_mem>>) src(%dma_wait3A_153 : memref<128x64xf32, #tpu.memory_space<vmem>>) dst(%dma_wait3A_150 : memref<128x64xf32, #tpu.memory_space<hbm>>)
    %dma_wait3A_154 = arith.constant 0 : i32
    %dma_wait3A_155 = arith.constant 0 : i32
    %dma_wait3A_156 = tpu.memref_slice %arg6[%dma_wait3A_154, %dma_wait3A_155] : memref<1024x64xf32, #tpu.memory_space<vmem>> -> memref<128x64xf32, #tpu.memory_space<vmem>>
    %dma_wait3A_157 = arith.constant 0 : i32
    %dma_wait3A_158 = tpu.memref_slice %arg4[%mul3A_2, %dma_wait3A_157] : memref<819200x64xf32, #tpu.memory_space<hbm>> -> memref<128x64xf32, #tpu.memory_space<hbm>>
    %dma_wait3A_159 = arith.constant 0 : i32
    %dma_wait3A_160 = tpu.memref_slice %arg4[%mul3A_2, %dma_wait3A_159] : memref<819200x64xf32, #tpu.memory_space<hbm>> -> memref<128x64xf32, #tpu.memory_space<hbm>>
    %dma_wait3A_161 = arith.constant 0 : i32
    %dma_wait3A_162 = arith.constant 0 : i32
    %dma_wait3A_163 = tpu.memref_slice %arg6[%dma_wait3A_161, %dma_wait3A_162] : memref<1024x64xf32, #tpu.memory_space<vmem>> -> memref<128x64xf32, #tpu.memory_space<vmem>>
    tpu.wait_dma2 semaphore(%arg8 : memref<!tpu.dma_semaphore, #tpu.memory_space<semaphore_mem>>) src(%dma_wait3A_163 : memref<128x64xf32, #tpu.memory_space<vmem>>) dst(%dma_wait3A_160 : memref<128x64xf32, #tpu.memory_space<hbm>>)
    %dma_wait3A_164 = arith.constant 0 : i32
    %dma_wait3A_165 = arith.constant 0 : i32
    %dma_wait3A_166 = tpu.memref_slice %arg6[%dma_wait3A_164, %dma_wait3A_165] : memref<1024x64xf32, #tpu.memory_space<vmem>> -> memref<128x64xf32, #tpu.memory_space<vmem>>
    %dma_wait3A_167 = arith.constant 0 : i32
    %dma_wait3A_168 = tpu.memref_slice %arg4[%mul3A_2, %dma_wait3A_167] : memref<819200x64xf32, #tpu.memory_space<hbm>> -> memref<128x64xf32, #tpu.memory_space<hbm>>
    %dma_wait3A_169 = arith.constant 0 : i32
    %dma_wait3A_170 = tpu.memref_slice %arg4[%mul3A_2, %dma_wait3A_169] : memref<819200x64xf32, #tpu.memory_space<hbm>> -> memref<128x64xf32, #tpu.memory_space<hbm>>
    %dma_wait3A_171 = arith.constant 0 : i32
    %dma_wait3A_172 = arith.constant 0 : i32
    %dma_wait3A_173 = tpu.memref_slice %arg6[%dma_wait3A_171, %dma_wait3A_172] : memref<1024x64xf32, #tpu.memory_space<vmem>> -> memref<128x64xf32, #tpu.memory_space<vmem>>
    tpu.wait_dma2 semaphore(%arg8 : memref<!tpu.dma_semaphore, #tpu.memory_space<semaphore_mem>>) src(%dma_wait3A_173 : memref<128x64xf32, #tpu.memory_space<vmem>>) dst(%dma_wait3A_170 : memref<128x64xf32, #tpu.memory_space<hbm>>)
    return
  }
}

</mosaic_0001>

<sc_bundles>
// kernel: kernel.3.cloned.1.call-start
scs
__scs_entry_jumppad:
0x0: {  	(pc) =	sbr.rel $0x88, $3  }
0x1: {  	(tag) =	ssettag $0x0;
	lr =	simm.s32 $0x1  }
0x2: {  	[smem:$0x3F9F] =	sst lr;
	_ =	strace $0xD0000000  }
0x3: {  	_ = 	snop  }
0x4: {  	_ = 	snop  }
0x5: {  	_ = 	snop  }
0x6: {  	_ = 	snop  }
0x7: {  	_ = 	snop  }
__scs_overlays_trampoline_lowered:
0x8: {  	[smem:$0x3FAE] =	sst s0  }
0x9: {  	[smem:$0x3FAF] =	sst s1  }
0xa: {  	[smem:$0x3FB0] =	sst s2  }
0xb: {  	[smem:$0x3FB1] =	sst s3  }
0xc: {  	[smem:$0x3FB2] =	sst s4  }
0xd: {  	[smem:$0x3FB3] =	sst s5  }
0xe: {  	[smem:$0x3FB4] =	sst s6  }
0xf: {  	[smem:$0x3FB5] =	sst s7  }
0x10: {  	[smem:$0x3FB6] =	sst s8  }
0x11: {  	[smem:$0x3FB7] =	sst s9;
	s0 =	simm.s32 @!p0 $0x0  }
0x12: {  	s1 =	sld [smem:$0x3F9D];
	s0 =	simm.s32 @p0 $0x1  }
0x13: {  	[smem:$0x3FB8] =	sst s0;
	s0 =	simm.s32 @!p1 $0x0  }
0x14: {  	s2 =	sld [smem:$0x3F9C];
	s0 =	simm.s32 @p1 $0x1  }
0x15: {  	[smem:$0x3FB9] =	sst s0;
	s0 =	simm.s32 @!p2 $0x0  }
0x16: {  	s3 =	sld [smem:$0x3FDB];
	s0 =	simm.s32 @p2 $0x1  }
0x17: {  	s4 =	simm.s32 $0x1BF5;
	[smem:$0x3FBB] =	sst s0  }
0x18: {  	s0 =	sld [smem:$0x3F9E];
	_ =	swait.ge [sflag:s4], $0x0  }
0x19: {  	s7 =	sld [smem:$0x3F9F]  }
0x1a: {  	s8 =	sadd.s32 $0xFFFFE003, lr  }
0x1b: {  	s9 =	sadd.s32 $0xFFFFFEF7, lr;
	s5 =	simm.s32 $0xFFFFFFFF;
	p2 =	slt.u32 s8, $0xFFFFF086  }
0x1c: {  	p1 =	slt.u32 s9, $0xF7A;
	s5 =	simm.s32 @!p2 $0x0  }
0x1d: {  	s5 =	simm.s32 @p1 $0x1;
	p0 =	seq.s32 s7, s2  }
0x1e: {  	s7 =	smul.u32 @!p0 $0xF7A, s2;
	p2 =	seq.s32 @!p0 s5, $0x0  }
0x1f: {  	s9 =	smul.u32 $0xF7A, s1;
	s8 =	simm.s32 @!p0 $0x1BF5;
	p2 =	por !p2, p0  }
0x20: {  	[sflag:s8] =	ssyncset.s32 @!p0 $0xFFFFF086;
	s6 =	sadd.s32 @!p0 s3, s7;
	s7 =	simm.s32 @!p0 $0x108  }
0x21: {  	s3 =	sadd.s32 s3, s9;
	s6 =	sadd.s32 @!p0 $0x88, s6;
	s7 =	simm.s32 @p2 $0x1082  }
0x22: {  	[simem:s7], [sflag:s8] =	dma.local @!p0 [hbm:s6], $0xF7A  }
0x23: {  	s9 =	sor.u32 $0xD0000000, s2;
	s6 =	simm.s32 $0x108;
	_ =	swait.ge @!p0 [sflag:s8], $0x0  }
0x24: {  	s3 =	sadd.s32 $0x88, s3;
	s6 =	simm.s32 @!p1 $0x1082;
	[sflag:s4] =	ssyncset.s32 $0xFFFFF086  }
0x25: {  	[simem:s6], [sflag:s4] =	dma.local [hbm:s3], $0xF7A  }
0x26: {  	[smem:$0x3F9F] =	sst s1;
	(tag) =	ssettag s2;
	_ =	strace s9  }
0x27: {  	s1 =	sld [smem:$0x3FAF]  }
0x28: {  	s2 =	sld [smem:$0x3FB0]  }
0x29: {  	s4 =	sld [smem:$0x3FB2]  }
0x2a: {  	p0 =	seq.s32 s5, $0x0;
	s5 =	sld [smem:$0x3FB3]  }
0x2b: {  	s6 =	sld [smem:$0x3FB4]  }
0x2c: {  	s7 =	sld [smem:$0x3FB5]  }
0x2d: {  	s3 =	simm.s32 $0x108;
	s8 =	sld [smem:$0x3FB6]  }
0x2e: {  	s3 =	simm.s32 @!p0 $0x1082;
	s9 =	sld [smem:$0x3FB7]  }
0x2f: {  	lr =	sadd.s32 s0, s3;
	s0 =	sld [smem:$0x3FAE]  }
0x30: {  	s3 =	sld [smem:$0x3FB1]  }
0x31: {  	[smem:$0x3FBA] =	sst s10  }
0x32: {  	s10 =	sld [smem:$0x3FB8];
	_ =	sdelay $0x3  }
0x33: {  	p0 =	seq.s32 s10, $0x1;
	s10 =	sld [smem:$0x3FBA];
	_ =	sdelay $0x3  }
0x34: {  	[smem:$0x3FBA] =	sst s10  }
0x35: {  	s10 =	sld [smem:$0x3FB9];
	_ =	sdelay $0x3  }
0x36: {  	p1 =	seq.s32 s10, $0x1;
	s10 =	sld [smem:$0x3FBA];
	_ =	sdelay $0x3  }
0x37: {  	[smem:$0x3FBA] =	sst s10  }
0x38: {  	s10 =	sld [smem:$0x3FBB]  }
0x39: {  	_ = 	snop;
	(pc) =	sbr.ind lr, $3  }
0x3a: {  	_ = 	snop  }
0x3b: {  	_ = 	snop  }
0x3c: {  	p2 =	seq.s32 s10, $0x1;
	s10 =	sld [smem:$0x3FBA]  }
0x3d: {  	_ =	shalt  }
0x3e: {  	_ =	shalt  }
0x3f: {  	_ =	shalt  }
0x40: {  	_ =	shalt  }
0x41: {  	_ =	shalt  }
0x42: {  	_ =	shalt  }
0x43: {  	_ =	shalt  }
0x44: {  	_ =	shalt  }
0x45: {  	_ =	shalt  }
0x46: {  	_ =	shalt  }
0x47: {  	_ =	shalt  }
0x48: {  	_ =	shalt  }
0x49: {  	_ =	shalt  }
0x4a: {  	_ =	shalt  }
0x4b: {  	_ =	shalt  }
0x4c: {  	_ =	shalt  }
0x4d: {  	_ =	shalt  }
0x4e: {  	_ =	shalt  }
0x4f: {  	_ =	shalt  }
0x50: {  	_ =	shalt  }
0x51: {  	_ =	shalt  }
0x52: {  	_ =	shalt  }
0x53: {  	_ =	shalt  }
0x54: {  	_ =	shalt  }
0x55: {  	_ =	shalt  }
0x56: {  	_ =	shalt  }
0x57: {  	_ =	shalt  }
0x58: {  	_ =	shalt  }
0x59: {  	_ =	shalt  }
0x5a: {  	_ =	shalt  }
0x5b: {  	_ =	shalt  }
0x5c: {  	_ =	shalt  }
0x5d: {  	_ =	shalt  }
0x5e: {  	_ =	shalt  }
0x5f: {  	_ =	shalt  }
0x60: {  	_ =	shalt  }
0x61: {  	_ =	shalt  }
0x62: {  	_ =	shalt  }
0x63: {  	_ =	shalt  }
0x64: {  	_ =	shalt  }
0x65: {  	_ =	shalt  }
0x66: {  	_ =	shalt  }
0x67: {  	_ =	shalt  }
0x68: {  	_ =	shalt  }
0x69: {  	_ =	shalt  }
0x6a: {  	_ =	shalt  }
0x6b: {  	_ =	shalt  }
0x6c: {  	_ =	shalt  }
0x6d: {  	_ =	shalt  }
0x6e: {  	_ =	shalt  }
0x6f: {  	_ =	shalt  }
0x70: {  	_ =	shalt  }
0x71: {  	_ =	shalt  }
0x72: {  	_ =	shalt  }
0x73: {  	_ =	shalt  }
0x74: {  	_ =	shalt  }
0x75: {  	_ =	shalt  }
0x76: {  	_ =	shalt  }
0x77: {  	_ =	shalt  }
0x78: {  	_ =	shalt  }
0x79: {  	_ =	shalt  }
0x7a: {  	_ =	shalt  }
0x7b: {  	_ =	shalt  }
0x7c: {  	_ =	shalt  }
0x7d: {  	_ =	shalt  }
0x7e: {  	_ =	shalt  }
0x7f: {  	_ =	shalt  }
0x80: {  	_ =	shalt  }
0x81: {  	_ =	shalt  }
0x82: {  	_ =	shalt  }
0x83: {  	_ =	shalt  }
0x84: {  	_ =	shalt  }
0x85: {  	_ =	shalt  }
0x86: {  	_ =	shalt  }
0x87: {  	_ =	shalt  }
.Lfunc_end0:
.L_simem_size_0:
called_computation.1_lowered:
.L_overlay_start_0:
0x88: {  	s2 =	sld [smem:$0x3FD9]  }
0x89: {  	s3 =	sld [smem:$0x3FFE];
	_ =	sdelay $0x1  }
0x8a: {  	s1 =	srdreg.scid  }
0x8b: {  	s0 =	sand.u32 $0x1, s1  }
0x8c: {  	s17 =	sshll.u32 s0, $0xA;
	s2 =	sadd.s32 s3, s2  }
0x8d: {  	s2 =	sadd.s32 s2, s17  }
0x8e: {  	[smem:$0x3FC6] =	sst s2  }
0x8f: {  	_ = 	snop  }
0x90: {  	s2 =	sld [smem:$0x3FD0];
	(tm) =	ssettm $0x1  }
0x91: {  	s18 =	sld [smem:$0x3FFB];
	_ =	sdelay $0x3  }
0x92: {  	_ =	strace s18  }
0x93: {  	s3 =	sld [smem:$0x3FFC];
	_ =	sdelay $0x3  }
0x94: {  	_ =	strace s3  }
0x95: {  	s3 =	sld [smem:$0x3FFD];
	_ =	sdelay $0x3  }
0x96: {  	_ =	strace s3  }
0x97: {  	_ =	strace $0x8FFFFFFF  }
0x98: {  	s19 =	sld [smem:$0x3FDB];
	_ =	sdelay $0x1  }
0x99: {  	s4 =	simm.s32 $_scs_section_size  }
0x9a: {  	s5 =	simm.s32 $_size__tile_overlayer_lowered;
	s6 =	simm.s32 $_tile_overlayer_lowered  }
0x9b: {  	s22 =	simm.s32 $0x1BFF;
	s21 =	sshll.u32 s6, $0x1;
	s3 =	sadd.s32 s4, s19  }
0x9c: {  	s7 =	simm.s32 $0x0;
	s20 =	sshll.u32 s5, $0x1;
	s5 =	sadd.s32 s21, s3  }
0x9d: {  	[timem:s7], [sflag:s22] =	dma.local [hbm:s5], s20  }
0x9e: {  	_ =	swait.ge [sflag:s22], s20  }
0x9f: {  	s4 =	ssub.s32 $0x0, s20;
	[sflag:s22] =	ssyncset.done $0x0  }
0xa0: {  	[sflag:s22] =	ssyncadd.s32 s4;
	_ =	sdelay $0x1  }
0xa1: {  	s23 =	simm.s32 $0x1B8B  }
0xa2: {  	_ =	swait.ge [sflag:s23], $0x1  }
0xa3: {  	[sflag:s23] =	ssyncset.done $0x0  }
0xa4: {  	s25 =	simm.s32 $0x1B8E;
	s24 =	sld [smem:$0x3FFE];
	[sflag:s23] =	ssyncadd.s32 $0xFFFFFFFF  }
0xa5: {  	s26 =	simm.s32 $execute0_lowered;
	[smem:$0x3FD2] =	sst s25  }
0xa6: {  	s5 =	sshll.u32 s26, $0x1;
	_ =	strace $0x80000046;
	[dreg:$0x1] =	wrdreg $0xFFFFFFFF  }
0xa7: {  	s28 =	simm.s32 $_size_execute0_lowered;
	s3 =	sadd.s32 s3, s5;
	[dreg:$0x0] =	wrdreg $0x0  }
0xa8: {  	s5 =	sshll.u32 s28, $0x1;
	[dreg:$0x2] =	wrdreg s3  }
0xa9: {  	[dreg:$0x3] =	wrdreg s5  }
0xaa: {  	[dreg:$0x4] =	wrdreg $0xC0  }
0xab: {  	_ =	task [dreg:s7], $0x5FFFF  }
0xac: {  	[dreg:$0x1] =	wrdreg $0xFFFFFFFF  }
0xad: {  	[dreg:$0x0] =	wrdreg $0x60  }
0xae: {  	[dreg:$0x2] =	wrdreg s24  }
0xaf: {  	[dreg:$0x3] =	wrdreg s2  }
0xb0: {  	[dreg:$0x4] =	wrdreg $0x9  }
0xb1: {  	_ =	task.clear_ibuf [dreg:s7], $0x5FFFF;
	_ =	strace $0x90000046  }
0xb2: {  	s29 =	simm.s32 $0x9;
	_ =	strace $0x80000048  }
0xb3: {  	_ =	swait.ge [sflag:s29], $0x1  }
0xb4: {  	[sflag:s29] =	ssyncadd.s32 $0xFFFFFFFF  }
0xb5: {  	_ =	strace $0x90000048  }
0xb6: {  	_ =	sfence  }
0xb7: {  	s30 =	sld [smem:$0x0];
	_ =	sdelay $0x2  }
0xb8: {  	s31 =	sshll.u32 s1, $0xD;
	s1 =	sshrl.u32 s1, $0x2  }
0xb9: {  	s3 =	sand.u32 $0x4000, s31;
	s1 =	sadd.s32 s1, s30  }
0xba: {  	s0 =	sor.u32 s3, s0;
	s1 =	sshll.u32 s1, $0x11  }
0xbb: {  	s0 =	sor.u32 s1, s0  }
0xbc: {  	s0 =	sadd.s32 $0x8F2B, s0  }
0xbd: {  	[sflag:s0] =	ssyncadd.remote.s32 $0x1  }
0xbe: {  	_ =	sfence.sel $0xFFFF  }
0xbf: {  	[dreg:$0x0] =	wrdreg $0xFFFFFFFF;
	(pc) =	sbr.abs _section_cstart, $3  }
0xc0: {  	[dreg:$0x1] =	wrdreg $0xFFFFFFFF  }
0xc1: {  	_ =	task.clear_ibuf [dreg:s7], $0x2FFFF;
	_ =	strace $0x9FFFFFFF  }
0xc2: {  	(tm) =	ssettm $0x7FFFFFFF  }
0xc3: {  	_ =	shalt  }
tec
execute0_lowered:
.L_overlay_start_1:
0x0: {  	(tag) =	ssettag $0x1  }
0x1: {  	s1 =	srdreg.scid  }
0x2: {  	s0 =	stileid.u32;
	s6 =	rddreg [dreg:$0x0]  }
0x3: {  	s2 =	rddreg [dreg:$0x1];
	s4 =	simm.s32 $0x0;
	s9 =	simm.s32 $0x80  }
0x4: {  	s10 =	simm.s32 $0x6400;
	s11 =	simm.s32 $0x8400;
	s12 =	simm.s32 $0x100  }
0x5: {  	s13 =	simm.s32 $0xA400;
	s14 =	simm.s32 $0x180;
	s15 =	simm.s32 $0xC400  }
0x6: {  	s16 =	simm.s32 $0x200;
	s5 =	sand.u32 $0x1, s1;
	s31 =	sshll.u32 s0, $0x1  }
0x7: {  	s17 =	simm.s32 $0xE400;
	s18 =	simm.s32 $0x280;
	s1 =	sor.u32 s5, s31  }
0x8: {  	s19 =	simm.s32 $0x10400;
	s20 =	simm.s32 $0x1;
	s3 =	smul.u32 $0x6400, s1  }
.Ltmp0:
0x9: {  	s21 =	simm.s32 $0x2;
	[smem:$0x7FF] =	sst s4;
	(pc) =	sbr.rel .LBB2_1-.Ltmp0, $4  }
0xa: {  	s22 =	simm.s32 $0x0;
	s5 =	ssub.s32 $0x2, s5;
	s1 =	rddreg [dreg:$0x2]  }
0xb: {  	s8 =	sshrl.u32 s5, $0x1;
	_ =	strace $0x80000047;
	s7 =	sshrl.u32 s3, $0x3  }
0xc: {  	s8 =	ssub.s32 s5, s8;
	s5 =	sadd.s32 $0xF42E00, s6;
	s7 =	sadd.s32 s7, s6  }
0xd: {  	v0 =	vimm.s32 $0x0;
	s6 =	sadd.s32 $0xA00, s7;
	s7 =	smax.u32 s8, $0x1;
	s8 =	simm.s32 $0x3  }
.LBB2_7:
0xe: {  	_ =	swait.ge [sflag:s21], $0x2000  }
0xf: {  	[sflag:s21] =	ssyncset.done $0x0  }
0x10: {  	[sflag:s21] =	ssyncadd.s32 $0xFFFFE000  }
0x11: {  	_ =	swait.ge [sflag:s21], $0x2000  }
0x12: {  	[sflag:s21] =	ssyncset.done $0x0  }
0x13: {  	[sflag:s21] =	ssyncadd.s32 $0xFFFFE000  }
0x14: {  	_ =	swait.ge [sflag:s21], $0x2000  }
0x15: {  	[sflag:s21] =	ssyncset.done $0x0  }
0x16: {  	[sflag:s21] =	ssyncadd.s32 $0xFFFFE000  }
0x17: {  	_ =	swait.ge [sflag:s21], $0x2000  }
0x18: {  	[sflag:s21] =	ssyncset.done $0x0  }
0x19: {  	[sflag:s21] =	ssyncadd.s32 $0xFFFFE000  }
0x1a: {  	_ =	swait.ge [sflag:s21], $0x2000  }
0x1b: {  	[sflag:s21] =	ssyncset.done $0x0  }
0x1c: {  	[sflag:s21] =	ssyncadd.s32 $0xFFFFE000  }
0x1d: {  	_ =	swait.ge [sflag:s21], $0x2000  }
0x1e: {  	[sflag:s21] =	ssyncset.done $0x0  }
0x1f: {  	s22 =	sadd.s32 $0x1, s22;
	[sflag:s21] =	ssyncadd.s32 $0xFFFFE000  }
0x20: {  	p0 =	sne.s32 s22, s7;
	_ =	swait.ge [sflag:s21], $0x2000  }
.Ltmp1:
0x21: {  	[sflag:s21] =	ssyncset.done $0x0;
	(pc) =	sbr.rel @!p0 .LBB2_8-.Ltmp1, $4  }
0x22: {  	[sflag:s21] =	ssyncadd.s32 $0xFFFFE000  }
0x23: {  	_ =	swait.ge [sflag:s21], $0x2000  }
0x24: {  	[sflag:s21] =	ssyncset.done $0x0  }
0x25: {  	[sflag:s21] =	ssyncadd.s32 $0xFFFFE000  }
.LBB2_1:
0x26: {  	[tilespmem:s4], [sflag:$0x3] =	stream.linear.gather [hbm4b:s6+s4], $0x6400, $0x38;
	[tilespmem:$0x16400] =	vst v63  }
0x27: {  	_ =	swait.ge [sflag:s8], $0x6400  }
0x28: {  	[sflag:s8] =	ssyncset.done $0x0  }
0x29: {  	[sflag:s8] =	ssyncadd.s32 $0xFFFF9C00  }
0x2a: {  	[tilespmem:s10], [sflag:$0x1] =	stream.indirect.gather [hbm4b:s5+s9], $0x40, s4, s9, $0xb8;
	[tilespmem:$0x16400] =	vst v63  }
0x2b: {  	_ = 	snop  }
0x2c: {  	[tilespmem:s11], [sflag:$0x1] =	stream.indirect.gather [hbm4b:s5+s9], $0x40, s9, s9, $0xb8;
	[tilespmem:$0x16400] =	vst v63  }
0x2d: {  	_ = 	snop  }
0x2e: {  	[tilespmem:s13], [sflag:$0x1] =	stream.indirect.gather [hbm4b:s5+s9], $0x40, s12, s9, $0xb8;
	[tilespmem:$0x16400] =	vst v63  }
0x2f: {  	_ = 	snop  }
0x30: {  	[tilespmem:s15], [sflag:$0x1] =	stream.indirect.gather [hbm4b:s5+s9], $0x40, s14, s9, $0xb8;
	[tilespmem:$0x16400] =	vst v63  }
.Ltmp2:
0x31: {  	_ = 	snop;
	(pc) =	sbr.rel .LBB2_2-.Ltmp2, $4  }
0x32: {  	_ = 	snop  }
0x33: {  	[tilespmem:s17], [sflag:$0x1] =	stream.indirect.gather [hbm4b:s5+s9], $0x40, s16, s9, $0xb8;
	[tilespmem:$0x16400] =	vst v63  }
0x34: {  	s23 =	simm.s32 $0x0;
	s24 =	simm.s32 $0x0;
	s25 =	simm.s32 $0x0  }
0x35: {  	[tilespmem:s19], [sflag:$0x1] =	stream.indirect.gather [hbm4b:s5+s9], $0x40, s18, s9, $0xb8;
	[tilespmem:$0x16400] =	vst v63  }
.LBB2_6:
0x36: {  	s28 =	sand.u32 $0x7, s25;
	s26 =	sadd.s32 s3, s26;
	p0 =	sgt.u32 s25, $0xC1  }
0x37: {  	s28 =	sshll.u32 s28, $0xD;
	s26 =	sshll.u32 s26, $0x3;
	p1 =	slt.u32 @!p0 s25, $0x2  }
0x38: {  	s28 =	sadd.s32 $0x6400, s28;
	s26 =	sadd.s32 s2, s26;
	p1 =	por p1, p0  }
0x39: {  	[hbm4b:s26+s4] =	stream.linear.scatter [tilespmem:s28], [sflag:$0x2], $0x2000, $0x38;
	[tilespmem:$0x16400] =	vst v63  }
0x3a: {  	s26 =	simm.s32 @!p1 $0x2  }
0x3b: {  	s28 =	sadd.s32 $0x6, s25;
	_ =	swait.ge @!p1 [sflag:s26], $0x2000  }
0x3c: {  	s25 =	sadd.s32 $0x1, s25;
	s29 =	sshll.u32 @!p0 s28, $0xD;
	[sflag:s26] =	ssyncset.done @!p1 $0x0  }
0x3d: {  	s28 =	sshll.u32 @!p0 s28, $0x7;
	[sflag:s26] =	ssyncadd.s32 @!p1 $0xFFFFE000;
	s26 =	sand.u32 @!p0 $0xE000, s29  }
0x3e: {  	s28 =	sand.u32 @!p0 $0x3FFFFF80, s28;
	s29 =	simm.s32 @!p0 $0x80;
	s26 =	sadd.s32 @!p0 $0x6400, s26  }
0x3f: {  	[tilespmem:s26], [sflag:$0x1] =	stream.indirect.gather @!p0 [hbm4b:s5+s29], $0x40, s28, s29, $0xb8;
	[tilespmem:$0x16400] =	vst v63  }
0x40: {  	p0 =	sne.s32 s25, $0xC8  }
.Ltmp3:
0x41: {  	_ = 	snop;
	(pc) =	sbr.rel @!p0 .LBB2_7-.Ltmp3, $2  }
0x42: {  	_ =	sdelay $0x2  }
0x43: {  	s24 =	sadd.s32 $0x80, s24;
	s23 =	sadd.s32 $0x1, s23  }
.LBB2_2:
0x44: {  	_ =	swait.ge [sflag:s20], $0x2000  }
0x45: {  	[sflag:s20] =	ssyncset.done $0x0  }
0x46: {  	s26 =	sshll.u32 s25, $0x7;
	[sflag:s20] =	ssyncadd.s32 $0xFFFFE000  }
0x47: {  	v1 =	vld [tilespmem:s26+$0x0]  }
0x48: {  	v2 =	vld [tilespmem:s26+$0x10]  }
0x49: {  	v3 =	vld [tilespmem:s26+$0x20]  }
0x4a: {  	v4 =	vld [tilespmem:s26+$0x30]  }
0x4b: {  	v5 =	vld [tilespmem:s26+$0x40]  }
0x4c: {  	v6 =	vld [tilespmem:s26+$0x50]  }
0x4d: {  	vm0 =	veq.s32 v1, $0x0;
	vm1 =	veq.s32 v2, $0x0;
	v1 =	vld [tilespmem:s26+$0x60]  }
0x4e: {  	vm10 =	veq.s32 v3, $0x0;
	v2 =	vld [tilespmem:s26+$0x70];
	vm0 =	vmor vm0, vm1  }
0x4f: {  	vm11 =	veq.s32 v4, $0x0;
	vm0 =	vmor vm0, vm10  }
0x50: {  	vm12 =	veq.s32 v5, $0x0;
	vm0 =	vmor vm0, vm11  }
0x51: {  	vm13 =	veq.s32 v6, $0x0;
	vm0 =	vmor vm0, vm12  }
0x52: {  	vm0 =	vmor vm0, vm13;
	vm14 =	veq.s32 v1, $0x0  }
0x53: {  	vm15 =	veq.s32 v2, $0x0;
	vm0 =	vmor vm0, vm14  }
0x54: {  	vm0 =	vmor vm0, vm15  }
0x55: {  	v1 =	vsel vm0, $0x1, v0  }
0x56: {  	(v2sf) =	vpush v1, $0x0  }
0x57: {  	(v2sf) =	vpush v1, $0x1  }
0x58: {  	(v2sf) =	vpush v1, $0x2  }
0x59: {  	(v2sf) =	vpush v1, $0x3  }
0x5a: {  	(v2sf) =	vpush v1, $0x4  }
0x5b: {  	(v2sf) =	vpush v1, $0x5  }
0x5c: {  	(v2sf) =	vpush v1, $0x6  }
0x5d: {  	(v2sf) =	vpush v1, $0x7  }
0x5e: {  	(v2sf) =	vpush v1, $0x8  }
0x5f: {  	(v2sf) =	vpush v1, $0x9  }
0x60: {  	(v2sf) =	vpush v1, $0xA  }
0x61: {  	(v2sf) =	vpush v1, $0xB  }
0x62: {  	(v2sf) =	vpush v1, $0xC  }
0x63: {  	(v2sf) =	vpush v1, $0xD  }
0x64: {  	(v2sf) =	vpush v1, $0xE  }
0x65: {  	s28 =	spop (v2sf);
	(v2sf) =	vpush v1, $0xF  }
0x66: {  	s29 =	spop (v2sf)  }
0x67: {  	s28 =	sor.u32 s29, s28;
	s30 =	spop (v2sf)  }
0x68: {  	s28 =	sor.u32 s30, s28;
	s31 =	spop (v2sf)  }
0x69: {  	s28 =	sor.u32 s31, s28;
	s30 =	spop (v2sf)  }
0x6a: {  	s28 =	sor.u32 s30, s28;
	s31 =	spop (v2sf)  }
0x6b: {  	s28 =	sor.u32 s31, s28;
	s30 =	spop (v2sf)  }
0x6c: {  	s28 =	sor.u32 s30, s28;
	s31 =	spop (v2sf)  }
0x6d: {  	s28 =	sor.u32 s31, s28;
	s30 =	spop (v2sf)  }
0x6e: {  	s28 =	sor.u32 s30, s28;
	s31 =	spop (v2sf)  }
0x6f: {  	s28 =	sor.u32 s31, s28;
	s30 =	spop (v2sf)  }
0x70: {  	s28 =	sor.u32 s30, s28;
	s31 =	spop (v2sf)  }
0x71: {  	s28 =	sor.u32 s31, s28;
	s30 =	spop (v2sf)  }
0x72: {  	s28 =	sor.u32 s30, s28;
	s31 =	spop (v2sf)  }
0x73: {  	s28 =	sor.u32 s31, s28;
	s30 =	spop (v2sf)  }
0x74: {  	s28 =	sor.u32 s30, s28;
	s31 =	spop (v2sf)  }
0x75: {  	s28 =	sor.u32 s31, s28  }
0x76: {  	p0 =	seq.s32 s28, $0x0  }
.Ltmp4:
0x77: {  	_ = 	snop;
	(pc) =	sbr.rel @p0 .LBB2_6-.Ltmp4, $1  }
0x78: {  	_ =	sdelay $0x3  }
0x79: {  	v1 =	vmov s24;
	_ =	sdelay $0x3  }
0x7a: {  	s28 =	simm.s32 $0x0  }
0x7b: {  	v2 =	vld.idx.msk [tilespmem:v1+s28+$0x0 ss:$0x1], $0xffff;
	_ =	sdelay $0x4  }
0x7c: {  	(v2sf) =	vpush v2, $0x0;
	_ =	sdelay $0x3  }
0x7d: {  	(v2sf) =	vpush v2, $0x1;
	_ =	sdelay $0x3  }
0x7e: {  	(v2sf) =	vpush v2, $0x2;
	_ =	sdelay $0x3  }
0x7f: {  	(v2sf) =	vpush v2, $0x3;
	_ =	sdelay $0x2  }
0x80: {  	s28 =	sand.u32 $0x7, s23;
	s29 =	spop (v2sf)  }
0x81: {  	s28 =	sshll.u32 s28, $0xD;
	(v2sf) =	vpush v2, $0x4;
	p0 =	sne.s32 s29, $0x0  }
0x82: {  	s28 =	sadd.s32 $0x6600, s28;
	v3 =	vimm.f32 @!p0 $0.0e+00  }
0x83: {  	[tilespmem:s28+$0xFFFFFE00] =	vst @!p0 v3  }
0x84: {  	s29 =	spop (v2sf);
	[tilespmem:s28+$0xFFFFFE10] =	vst @!p0 v3  }
0x85: {  	(v2sf) =	vpush v2, $0x5;
	p1 =	sne.s32 s29, $0x0;
	[tilespmem:s28+$0xFFFFFE20] =	vst @!p0 v3  }
0x86: {  	v4 =	vimm.f32 @!p1 $0.0e+00;
	[tilespmem:s28+$0xFFFFFE30] =	vst @!p0 v3  }
0x87: {  	[tilespmem:s28+$0xFFFFFE40] =	vst @!p1 v4  }
0x88: {  	s29 =	spop (v2sf);
	[tilespmem:s28+$0xFFFFFE50] =	vst @!p1 v4  }
0x89: {  	(v2sf) =	vpush v2, $0x6;
	p0 =	sne.s32 s29, $0x0;
	[tilespmem:s28+$0xFFFFFE60] =	vst @!p1 v4  }
0x8a: {  	v3 =	vimm.f32 @!p0 $0.0e+00;
	[tilespmem:s28+$0xFFFFFE70] =	vst @!p1 v4  }
0x8b: {  	[tilespmem:s28+$0xFFFFFE80] =	vst @!p0 v3  }
0x8c: {  	s29 =	spop (v2sf);
	[tilespmem:s28+$0xFFFFFE90] =	vst @!p0 v3  }
0x8d: {  	(v2sf) =	vpush v2, $0x7;
	p1 =	sne.s32 s29, $0x0;
	[tilespmem:s28+$0xFFFFFEA0] =	vst @!p0 v3  }
0x8e: {  	v4 =	vimm.f32 @!p1 $0.0e+00;
	[tilespmem:s28+$0xFFFFFEB0] =	vst @!p0 v3  }
0x8f: {  	[tilespmem:s28+$0xFFFFFEC0] =	vst @!p1 v4  }
0x90: {  	[tilespmem:s28+$0xFFFFFED0] =	vst @!p1 v4;
	s29 =	spop (v2sf)  }
0x91: {  	[tilespmem:s28+$0xFFFFFEE0] =	vst @!p1 v4;
	(v2sf) =	vpush v2, $0x8;
	p0 =	sne.s32 s29, $0x0  }
0x92: {  	[tilespmem:s28+$0xFFFFFEF0] =	vst @!p1 v4;
	v3 =	vimm.f32 @!p0 $0.0e+00  }
0x93: {  	[tilespmem:s28+$0xFFFFFF00] =	vst @!p0 v3  }
0x94: {  	s29 =	spop (v2sf);
	[tilespmem:s28+$0xFFFFFF10] =	vst @!p0 v3  }
0x95: {  	(v2sf) =	vpush v2, $0x9;
	p1 =	sne.s32 s29, $0x0;
	[tilespmem:s28+$0xFFFFFF20] =	vst @!p0 v3  }
0x96: {  	v4 =	vimm.f32 @!p1 $0.0e+00;
	[tilespmem:s28+$0xFFFFFF30] =	vst @!p0 v3  }
0x97: {  	[tilespmem:s28+$0xFFFFFF40] =	vst @!p1 v4  }
0x98: {  	s29 =	spop (v2sf);
	[tilespmem:s28+$0xFFFFFF50] =	vst @!p1 v4  }
0x99: {  	(v2sf) =	vpush v2, $0xA;
	p0 =	sne.s32 s29, $0x0;
	[tilespmem:s28+$0xFFFFFF60] =	vst @!p1 v4  }
0x9a: {  	v3 =	vimm.f32 @!p0 $0.0e+00;
	[tilespmem:s28+$0xFFFFFF70] =	vst @!p1 v4  }
0x9b: {  	[tilespmem:s28+$0xFFFFFF80] =	vst @!p0 v3  }
0x9c: {  	s29 =	spop (v2sf);
	[tilespmem:s28+$0xFFFFFF90] =	vst @!p0 v3  }
0x9d: {  	(v2sf) =	vpush v2, $0xB;
	p1 =	sne.s32 s29, $0x0;
	[tilespmem:s28+$0xFFFFFFA0] =	vst @!p0 v3  }
0x9e: {  	v4 =	vimm.f32 @!p1 $0.0e+00;
	[tilespmem:s28+$0xFFFFFFB0] =	vst @!p0 v3  }
0x9f: {  	[tilespmem:s28+$0xFFFFFFC0] =	vst @!p1 v4  }
0xa0: {  	[tilespmem:s28+$0xFFFFFFD0] =	vst @!p1 v4;
	s29 =	spop (v2sf)  }
0xa1: {  	[tilespmem:s28+$0xFFFFFFE0] =	vst @!p1 v4;
	(v2sf) =	vpush v2, $0xC;
	p0 =	sne.s32 s29, $0x0  }
0xa2: {  	[tilespmem:s28+$0xFFFFFFF0] =	vst @!p1 v4;
	v3 =	vimm.f32 @!p0 $0.0e+00  }
0xa3: {  	[tilespmem:s28+$0x0] =	vst @!p0 v3  }
0xa4: {  	s29 =	spop (v2sf);
	[tilespmem:s28+$0x10] =	vst @!p0 v3  }
0xa5: {  	(v2sf) =	vpush v2, $0xD;
	p1 =	sne.s32 s29, $0x0;
	[tilespmem:s28+$0x20] =	vst @!p0 v3  }
0xa6: {  	v4 =	vimm.f32 @!p1 $0.0e+00;
	[tilespmem:s28+$0x30] =	vst @!p0 v3  }
0xa7: {  	[tilespmem:s28+$0x40] =	vst @!p1 v4  }
0xa8: {  	s29 =	spop (v2sf);
	[tilespmem:s28+$0x50] =	vst @!p1 v4  }
0xa9: {  	(v2sf) =	vpush v2, $0xE;
	p0 =	sne.s32 s29, $0x0;
	[tilespmem:s28+$0x60] =	vst @!p1 v4  }
0xaa: {  	v3 =	vimm.f32 @!p0 $0.0e+00;
	[tilespmem:s28+$0x70] =	vst @!p1 v4  }
0xab: {  	[tilespmem:s28+$0x80] =	vst @!p0 v3  }
0xac: {  	s29 =	spop (v2sf);
	[tilespmem:s28+$0x90] =	vst @!p0 v3  }
0xad: {  	(v2sf) =	vpush v2, $0xF;
	p1 =	sne.s32 s29, $0x0;
	[tilespmem:s28+$0xA0] =	vst @!p0 v3  }
0xae: {  	v2 =	vimm.f32 @!p1 $0.0e+00;
	[tilespmem:s28+$0xB0] =	vst @!p0 v3  }
0xaf: {  	[tilespmem:s28+$0xC0] =	vst @!p1 v2  }
0xb0: {  	[tilespmem:s28+$0xD0] =	vst @!p1 v2;
	s29 =	spop (v2sf)  }
0xb1: {  	[tilespmem:s28+$0xE0] =	vst @!p1 v2;
	p0 =	sne.s32 s29, $0x0  }
0xb2: {  	[tilespmem:s28+$0xF0] =	vst @!p1 v2;
	v3 =	vimm.f32 @!p0 $0.0e+00  }
0xb3: {  	[tilespmem:s28+$0x100] =	vst @!p0 v3  }
0xb4: {  	s29 =	spop (v2sf);
	[tilespmem:s28+$0x110] =	vst @!p0 v3  }
0xb5: {  	p1 =	sne.s32 s29, $0x0;
	[tilespmem:s28+$0x120] =	vst @!p0 v3  }
0xb6: {  	v2 =	vimm.f32 @!p1 $0.0e+00;
	[tilespmem:s28+$0x130] =	vst @!p0 v3  }
0xb7: {  	[tilespmem:s28+$0x140] =	vst @!p1 v2  }
0xb8: {  	s29 =	spop (v2sf);
	[tilespmem:s28+$0x150] =	vst @!p1 v2  }
0xb9: {  	p0 =	sne.s32 s29, $0x0;
	[tilespmem:s28+$0x160] =	vst @!p1 v2  }
0xba: {  	v3 =	vimm.f32 @!p0 $0.0e+00;
	[tilespmem:s28+$0x170] =	vst @!p1 v2  }
0xbb: {  	[tilespmem:s28+$0x180] =	vst @!p0 v3  }
0xbc: {  	s29 =	spop (v2sf);
	[tilespmem:s28+$0x190] =	vst @!p0 v3  }
0xbd: {  	p3 =	sne.s32 s29, $0x0;
	[tilespmem:s28+$0x1A0] =	vst @!p0 v3  }
0xbe: {  	[tilespmem:s28+$0x1B0] =	vst @!p0 v3;
	v2 =	vimm.f32 @!p3 $0.0e+00  }
0xbf: {  	[tilespmem:s28+$0x1C0] =	vst @!p3 v2  }
0xc0: {  	[tilespmem:s28+$0x1D0] =	vst @!p3 v2  }
0xc1: {  	s29 =	simm.s32 $0x40;
	[tilespmem:s28+$0x1E0] =	vst @!p3 v2  }
.LBB2_4:
0xc2: {  	s30 =	sshra.s32 s29, $0x2;
	[tilespmem:s28+$0x1F0] =	vst @!p3 v2  }
0xc3: {  	v2 =	vld.idx.msk [tilespmem:v1+s30+$0x0 ss:$0x1], $0xffff;
	_ =	sdelay $0x4  }
0xc4: {  	(v2sf) =	vpush v2, $0x0;
	_ =	sdelay $0x2  }
0xc5: {  	(v2sf) =	vpush v2, $0x1  }
0xc6: {  	(v2sf) =	vpush v2, $0x2  }
0xc7: {  	(v2sf) =	vpush v2, $0x3  }
0xc8: {  	(v2sf) =	vpush v2, $0x4  }
0xc9: {  	(v2sf) =	vpush v2, $0x5  }
0xca: {  	(v2sf) =	vpush v2, $0x6  }
0xcb: {  	(v2sf) =	vpush v2, $0x7  }
0xcc: {  	(v2sf) =	vpush v2, $0x8  }
0xcd: {  	(v2sf) =	vpush v2, $0x9  }
0xce: {  	(v2sf) =	vpush v2, $0xA  }
0xcf: {  	(v2sf) =	vpush v2, $0xB  }
0xd0: {  	(v2sf) =	vpush v2, $0xC  }
0xd1: {  	(v2sf) =	vpush v2, $0xD;
	s31 =	spop (v2sf)  }
0xd2: {  	(v2sf) =	vpush v2, $0xE;
	p1 =	sne.s32 s31, $0x0  }
0xd3: {  	s28 =	sadd.s32 $0x400, s28;
	(v2sf) =	vpush v2, $0xF;
	v2 =	vimm.f32 @!p1 $0.0e+00  }
0xd4: {  	[tilespmem:s28+$0xFFFFFE00] =	vst @!p1 v2  }
0xd5: {  	s31 =	spop (v2sf);
	[tilespmem:s28+$0xFFFFFE10] =	vst @!p1 v2  }
0xd6: {  	p2 =	sne.s32 s31, $0x0;
	[tilespmem:s28+$0xFFFFFE20] =	vst @!p1 v2  }
0xd7: {  	v3 =	vimm.f32 @!p2 $0.0e+00;
	[tilespmem:s28+$0xFFFFFE30] =	vst @!p1 v2  }
0xd8: {  	[tilespmem:s28+$0xFFFFFE40] =	vst @!p2 v3  }
0xd9: {  	s31 =	spop (v2sf);
	[tilespmem:s28+$0xFFFFFE50] =	vst @!p2 v3  }
0xda: {  	p3 =	sne.s32 s31, $0x0;
	[tilespmem:s28+$0xFFFFFE60] =	vst @!p2 v3  }
0xdb: {  	v4 =	vimm.f32 @!p3 $0.0e+00;
	[tilespmem:s28+$0xFFFFFE70] =	vst @!p2 v3  }
0xdc: {  	[tilespmem:s28+$0xFFFFFE80] =	vst @!p3 v4  }
0xdd: {  	s31 =	spop (v2sf);
	[tilespmem:s28+$0xFFFFFE90] =	vst @!p3 v4  }
0xde: {  	p6 =	sne.s32 s31, $0x0;
	[tilespmem:s28+$0xFFFFFEA0] =	vst @!p3 v4  }
0xdf: {  	v5 =	vimm.f32 @!p6 $0.0e+00;
	[tilespmem:s28+$0xFFFFFEB0] =	vst @!p3 v4  }
0xe0: {  	[tilespmem:s28+$0xFFFFFEC0] =	vst @!p6 v5  }
0xe1: {  	s31 =	spop (v2sf);
	[tilespmem:s28+$0xFFFFFED0] =	vst @!p6 v5  }
0xe2: {  	s29 =	sadd.s32 $0x40, s29;
	p5 =	sne.s32 s31, $0x0;
	s31 =	spop (v2sf);
	[tilespmem:s28+$0xFFFFFEE0] =	vst @!p6 v5  }
0xe3: {  	p0 =	sne.s32 s29, $0x200;
	v6 =	vimm.f32 @!p5 $0.0e+00;
	p4 =	sne.s32 s31, $0x0;
	s31 =	spop (v2sf);
	[tilespmem:s28+$0xFFFFFEF0] =	vst @!p6 v5  }
0xe4: {  	s30 =	simm.s32 @!p0 $0x0;
	p1 =	sne.s32 s31, $0x0;
	s31 =	spop (v2sf);
	[tilespmem:s28+$0xFFFFFF00] =	vst @!p5 v6  }
0xe5: {  	s30 =	simm.s32 @p0 $0x1;
	[tilespmem:s28+$0xFFFFFF10] =	vst @!p5 v6;
	p0 =	sne.s32 s31, $0x0  }
0xe6: {  	[smem:$0x7FD] =	sst s30;
	[tilespmem:s28+$0xFFFFFF20] =	vst @!p5 v6;
	s30 =	simm.s32 @!p0 $0x0  }
0xe7: {  	v7 =	vimm.f32 @!p4 $0.0e+00;
	[tilespmem:s28+$0xFFFFFF30] =	vst @!p5 v6;
	s31 =	spop (v2sf);
	s30 =	simm.s32 @p0 $0x1  }
0xe8: {  	[tilespmem:s28+$0xFFFFFF40] =	vst @!p4 v7;
	v9 =	vimm.f32 @!p0 $0.0e+00;
	p0 =	sne.s32 s31, $0x0;
	s31 =	spop (v2sf);
	[smem:$0x7F7] =	sst s30  }
0xe9: {  	[tilespmem:s28+$0xFFFFFF50] =	vst @!p4 v7;
	s30 =	simm.s32 @!p0 $0x0;
	p2 =	sne.s32 s31, $0x0;
	s31 =	spop (v2sf)  }
0xea: {  	[tilespmem:s28+$0xFFFFFF60] =	vst @!p4 v7;
	v3 =	vimm.f32 @!p0 $0.0e+00;
	s30 =	simm.s32 @p0 $0x1;
	p0 =	sne.s32 s31, $0x0  }
0xeb: {  	v8 =	vimm.f32 @!p1 $0.0e+00;
	[tilespmem:s28+$0xFFFFFF70] =	vst @!p4 v7;
	s31 =	spop (v2sf);
	[smem:$0x7F8] =	sst s30;
	s30 =	simm.s32 @!p0 $0x0  }
0xec: {  	[tilespmem:s28+$0xFFFFFF80] =	vst @!p1 v8;
	v11 =	vimm.f32 @!p0 $0.0e+00;
	s30 =	simm.s32 @p0 $0x1;
	p0 =	sne.s32 s31, $0x0  }
0xed: {  	[tilespmem:s28+$0xFFFFFF90] =	vst @!p1 v8;
	s31 =	spop (v2sf);
	[smem:$0x7F9] =	sst s30;
	s30 =	simm.s32 @!p0 $0x0  }
0xee: {  	[tilespmem:s28+$0xFFFFFFA0] =	vst @!p1 v8;
	v12 =	vimm.f32 @!p0 $0.0e+00;
	s30 =	simm.s32 @p0 $0x1;
	p0 =	sne.s32 s31, $0x0  }
0xef: {  	[tilespmem:s28+$0xFFFFFFB0] =	vst @!p1 v8;
	v10 =	vimm.f32 @!p2 $0.0e+00;
	s31 =	spop (v2sf);
	[smem:$0x7FA] =	sst s30;
	s30 =	simm.s32 @!p0 $0x0  }
0xf0: {  	[tilespmem:s28+$0x40] =	vst @!p2 v10;
	v4 =	vimm.f32 @!p0 $0.0e+00;
	s30 =	simm.s32 @p0 $0x1;
	p0 =	sne.s32 s31, $0x0  }
0xf1: {  	[tilespmem:s28+$0x50] =	vst @!p2 v10;
	s31 =	spop (v2sf);
	[smem:$0x7FB] =	sst s30;
	s30 =	simm.s32 @!p0 $0x0  }
0xf2: {  	[tilespmem:s28+$0x60] =	vst @!p2 v10;
	v13 =	vimm.f32 @!p0 $0.0e+00;
	s30 =	simm.s32 @p0 $0x1;
	p0 =	sne.s32 s31, $0x0;
	s31 =	spop (v2sf)  }
0xf3: {  	[tilespmem:s28+$0x70] =	vst @!p2 v10;
	v14 =	vimm.f32 @!p0 $0.0e+00;
	p3 =	sne.s32 s31, $0x0;
	s31 =	sld [smem:$0x7F7]  }
0xf4: {  	[tilespmem:s28+$0x180] =	vst @!p0 v14  }
0xf5: {  	[tilespmem:s28+$0x190] =	vst @!p0 v14  }
0xf6: {  	[tilespmem:s28+$0x1A0] =	vst @!p0 v14;
	p1 =	seq.s32 s31, $0x1  }
0xf7: {  	s31 =	sld [smem:$0x7F8];
	[tilespmem:s28+$0xFFFFFFC0] =	vst @!p1 v9  }
0xf8: {  	[tilespmem:s28+$0xFFFFFFD0] =	vst @!p1 v9  }
0xf9: {  	[tilespmem:s28+$0xFFFFFFE0] =	vst @!p1 v9  }
0xfa: {  	[tilespmem:s28+$0xFFFFFFF0] =	vst @!p1 v9;
	p1 =	seq.s32 s31, $0x1  }
0xfb: {  	s31 =	sld [smem:$0x7F9];
	[tilespmem:s28+$0x0] =	vst @!p1 v3  }
0xfc: {  	[tilespmem:s28+$0x10] =	vst @!p1 v3  }
0xfd: {  	[tilespmem:s28+$0x20] =	vst @!p1 v3  }
0xfe: {  	[tilespmem:s28+$0x30] =	vst @!p1 v3;
	p1 =	seq.s32 s31, $0x1  }
0xff: {  	s31 =	sld [smem:$0x7FA];
	[tilespmem:s28+$0x80] =	vst @!p1 v11  }
0x100: {  	[tilespmem:s28+$0x90] =	vst @!p1 v11  }
0x101: {  	[tilespmem:s28+$0xA0] =	vst @!p1 v11  }
0x102: {  	[tilespmem:s28+$0xB0] =	vst @!p1 v11;
	p1 =	seq.s32 s31, $0x1  }
0x103: {  	s31 =	sld [smem:$0x7FB];
	[tilespmem:s28+$0xC0] =	vst @!p1 v12  }
0x104: {  	[tilespmem:s28+$0xD0] =	vst @!p1 v12  }
0x105: {  	[tilespmem:s28+$0xE0] =	vst @!p1 v12  }
0x106: {  	[smem:$0x7FC] =	sst s30;
	[tilespmem:s28+$0xF0] =	vst @!p1 v12;
	p1 =	seq.s32 s31, $0x1  }
0x107: {  	s31 =	sld [smem:$0x7FC];
	[tilespmem:s28+$0x100] =	vst @!p1 v4  }
0x108: {  	[tilespmem:s28+$0x110] =	vst @!p1 v4  }
0x109: {  	[tilespmem:s28+$0x120] =	vst @!p1 v4  }
0x10a: {  	[tilespmem:s28+$0x130] =	vst @!p1 v4;
	p1 =	seq.s32 s31, $0x1;
	s31 =	sld [smem:$0x7FD]  }
0x10b: {  	v2 =	vimm.f32 @!p3 $0.0e+00;
	[tilespmem:s28+$0x1B0] =	vst @!p0 v14  }
0x10c: {  	[tilespmem:s28+$0x1C0] =	vst @!p3 v2  }
0x10d: {  	[tilespmem:s28+$0x1D0] =	vst @!p3 v2;
	p0 =	seq.s32 s31, $0x1  }
.Ltmp5:
0x10e: {  	[tilespmem:s28+$0x1E0] =	vst @!p3 v2;
	(pc) =	sbr.rel @p0 .LBB2_4-.Ltmp5, $4  }
0x10f: {  	[tilespmem:s28+$0x140] =	vst @!p1 v13  }
0x110: {  	[tilespmem:s28+$0x150] =	vst @!p1 v13  }
0x111: {  	[tilespmem:s28+$0x160] =	vst @!p1 v13  }
0x112: {  	[tilespmem:s28+$0x170] =	vst @!p1 v13  }
.Ltmp6:
0x113: {  	(pc) =	sbr.rel .LBB2_6-.Ltmp6, $2  }
0x114: {  	_ =	sdelay $0x2  }
0x115: {  	[tilespmem:s28+$0x1F0] =	vst @!p3 v2  }
.LBB2_8:
0x116: {  	_ =	sfence.sel $0x180000  }
0x117: {  	[bflag:$0x0] =	sbarrier.arrive $0xFFFF  }
0x118: {  	p0 =	sne.s32 s0, $0x0;
	_ =	strace $0x90000047  }
0x119: {  	s0 =	sadd.s32 @!p0 $0x100000, s1;
	[bflag:$0x2] =	sbarrier.arrive $0xFFFF  }
0x11a: {  	[sflag:s0] =	ssyncadd.tile.s32 @!p0 $0x1;
	_ =	shalt  }
.Lfunc_end2:
_tile_overlayer_lowered:
.L_overlay_start_2:
0x11b: {  	(tag) =	ssettag $0x2  }
0x11c: {  	s0 =	rddreg [dreg:$0x0];
	s2 =	stileid.u32  }
0x11d: {  	s1 =	rddreg [dreg:$0x1];
	p0 =	sne.s32 s2, $0x0  }
0x11e: {  	s3 =	rddreg [dreg:$0x2];
	[bflag:$0x3] =	sbarrier.arrive $0xFFFF;
	s2 =	simm.s32 @!p0 $0x1C03  }
0x11f: {  	[timem:s3], [sflag:s2] =	dma.local @!p0 [hbm:s0], s1  }
0x120: {  	s0 =	simm.s32 @!p0 $0x3  }
0x121: {  	_ =	swait.ge @!p0 [sflag:s0], s1  }
0x122: {  	s1 =	ssub.s32 @!p0 $0x0, s1;
	[sflag:s0] =	ssyncset.done @!p0 $0x0  }
0x123: {  	[sflag:s0] =	ssyncadd.s32 @!p0 s1  }
0x124: {  	[bflag:$0x3] =	sbarrier.arrive $0xFFFF  }
0x125: {  	_ =	shalt  }

// kernel: sparse-core-data-format-call.cloned.1.call-start
scs
called_computation_lowered:
.L_overlay_start_0:
0x0: {  	s2 =	sld [smem:$0x3FD9]  }
0x1: {  	s3 =	sld [smem:$0x3FFE];
	_ =	sdelay $0x1  }
0x2: {  	s1 =	srdreg.scid  }
0x3: {  	s0 =	sand.u32 $0x1, s1  }
0x4: {  	s18 =	sshll.u32 s0, $0xA;
	s2 =	sadd.s32 s3, s2  }
0x5: {  	s2 =	sadd.s32 s2, s18  }
0x6: {  	[smem:$0x3FC6] =	sst s2  }
0x7: {  	_ = 	snop  }
0x8: {  	s2 =	sld [smem:$0x3FD0];
	(tm) =	ssettm $0x1  }
0x9: {  	s19 =	sld [smem:$0x3FFB];
	_ =	sdelay $0x3  }
0xa: {  	_ =	strace s19  }
0xb: {  	s3 =	sld [smem:$0x3FFC];
	_ =	sdelay $0x3  }
0xc: {  	_ =	strace s3  }
0xd: {  	s3 =	sld [smem:$0x3FFD];
	_ =	sdelay $0x3  }
0xe: {  	_ =	strace s3  }
0xf: {  	_ =	strace $0x8FFFFFFF  }
0x10: {  	s20 =	sld [smem:$0x3FDB];
	_ =	sdelay $0x1  }
0x11: {  	s4 =	simm.s32 $_scs_section_size  }
0x12: {  	s5 =	simm.s32 $_size__tile_overlayer_lowered;
	s6 =	simm.s32 $_tile_overlayer_lowered  }
0x13: {  	s23 =	simm.s32 $0x1BFF;
	s22 =	sshll.u32 s6, $0x1;
	s3 =	sadd.s32 s4, s20  }
0x14: {  	s7 =	simm.s32 $0x0;
	s21 =	sshll.u32 s5, $0x1;
	s5 =	sadd.s32 s22, s3  }
0x15: {  	[timem:s7], [sflag:s23] =	dma.local [hbm:s5], s21  }
0x16: {  	_ =	swait.ge [sflag:s23], s21  }
0x17: {  	s4 =	ssub.s32 $0x0, s21;
	[sflag:s23] =	ssyncset.done $0x0  }
0x18: {  	[sflag:s23] =	ssyncadd.s32 s4;
	_ =	sdelay $0x1  }
0x19: {  	s24 =	simm.s32 $0x1B8B  }
0x1a: {  	_ =	swait.ge [sflag:s24], $0x1  }
0x1b: {  	[sflag:s24] =	ssyncset.done $0x0  }
0x1c: {  	s26 =	simm.s32 $0x1B8E;
	s25 =	sld [smem:$0x3FFE];
	[sflag:s24] =	ssyncadd.s32 $0xFFFFFFFF  }
0x1d: {  	s27 =	simm.s32 $execute0_lowered;
	[smem:$0x3FD2] =	sst s26  }
0x1e: {  	s5 =	sshll.u32 s27, $0x1;
	_ =	strace $0x80000049;
	[dreg:$0x1] =	wrdreg $0xFFFFFFFF  }
0x1f: {  	s28 =	simm.s32 $_size_execute0_lowered;
	s3 =	sadd.s32 s3, s5;
	[dreg:$0x0] =	wrdreg $0x0  }
0x20: {  	s5 =	sshll.u32 s28, $0x1;
	[dreg:$0x2] =	wrdreg s3  }
0x21: {  	[dreg:$0x3] =	wrdreg s5  }
0x22: {  	[dreg:$0x4] =	wrdreg $0xC0  }
0x23: {  	_ =	task [dreg:s7], $0x5FFFF  }
0x24: {  	[dreg:$0x1] =	wrdreg $0xFFFFFFFF  }
0x25: {  	[dreg:$0x0] =	wrdreg $0x60  }
0x26: {  	[dreg:$0x2] =	wrdreg s25  }
0x27: {  	[dreg:$0x3] =	wrdreg s2  }
0x28: {  	[dreg:$0x4] =	wrdreg $0x9  }
0x29: {  	_ =	task.clear_ibuf [dreg:s7], $0x5FFFF;
	_ =	strace $0x90000049  }
0x2a: {  	s29 =	simm.s32 $0x9;
	_ =	strace $0x8000004B  }
0x2b: {  	_ =	swait.ge [sflag:s29], $0x1  }
0x2c: {  	[sflag:s29] =	ssyncadd.s32 $0xFFFFFFFF  }
0x2d: {  	_ =	strace $0x9000004B  }
0x2e: {  	_ =	sfence  }
0x2f: {  	s30 =	sld [smem:$0x0];
	_ =	sdelay $0x2  }
0x30: {  	s31 =	sshll.u32 s1, $0xD;
	s1 =	sshrl.u32 s1, $0x2  }
0x31: {  	s3 =	sand.u32 $0x4000, s31;
	s1 =	sadd.s32 s1, s30  }
0x32: {  	s0 =	sor.u32 s3, s0;
	s1 =	sshll.u32 s1, $0x11  }
0x33: {  	s0 =	sor.u32 s1, s0  }
0x34: {  	s0 =	sadd.s32 $0x8F2B, s0  }
0x35: {  	[sflag:s0] =	ssyncadd.remote.s32 $0x1  }
0x36: {  	_ =	sfence.sel $0xFFFF  }
0x37: {  	[dreg:$0x0] =	wrdreg $0xFFFFFFFF;
	(pc) =	sbr.abs _section_cstart, $3  }
0x38: {  	[dreg:$0x1] =	wrdreg $0xFFFFFFFF  }
0x39: {  	_ =	task.clear_ibuf [dreg:s7], $0x2FFFF;
	_ =	strace $0x9FFFFFFF  }
0x3a: {  	(tm) =	ssettm $0x7FFFFFFF  }
0x3b: {  	_ =	shalt  }
tec
execute0_lowered:
.L_overlay_start_1:
0x0: {  	(tag) =	ssettag $0x1  }
0x1: {  	s0 =	srdreg.scid  }
0x2: {  	s1 =	sshll.u32 s0, $0x4  }
0x3: {  	s0 =	stileid.u32;
	s1 =	sand.u32 $0x10, s1  }
0x4: {  	s1 =	sor.u32 s0, s1  }
0x5: {  	s6 =	rddreg [dreg:$0x0];
	s4 =	simm.s32 $0x1;
	s2 =	sshll.u32 s1, $0x7  }
0x6: {  	s7 =	simm.s32 $0x2;
	s12 =	simm.s32 $0x0;
	s1 =	ssub.s32 $0x4000, s2  }
0x7: {  	s8 =	simm.s32 $0x20000;
	s13 =	simm.s32 $0x0;
	s3 =	sand.u32 $0xF80, s1  }
0x8: {  	s9 =	simm.s32 $0x0;
	s5 =	sshrl.u32 s1, $0xC;
	p0 =	sne.s32 s3, $0x0  }
.Ltmp0:
0x9: {  	s1 =	rddreg [dreg:$0x2];
	s4 =	simm.s32 @!p0 $0x0;
	(pc) =	sbr.rel .LBB1_1-.Ltmp0, $4  }
0xa: {  	s11 =	simm.s32 $0x0;
	s3 =	rddreg [dreg:$0x1];
	s5 =	sadd.s32 s4, s5  }
0xb: {  	_ =	strace $0x8000004A;
	s4 =	simm.s32 $0x1;
	s5 =	smul.u32 $0x32, s5  }
0xc: {  	s6 =	sadd.s32 $0xA00, s6;
	s10 =	smov.u32 s2;
	[sflag:s4] =	ssyncpa.u1 $0x0  }
0xd: {  	p0 =	por $0x0, $0x0;
	[sflag:s7] =	ssyncpa.u1 $0x0;
	s7 =	sor.u32 $0x1, s5  }
.LBB1_4:
0xe: {  	s16 =	sshll.u32 s13, $0x3;
	s17 =	sand.u32 $0x78, s13  }
0xf: {  	s30 =	sand.u32 $0x1F800, s13;
	s12 =	sshll.u32 s12, $0x11;
	s16 =	sand.u32 $0x3C00, s16  }
0x10: {  	[tilespmem:s15+$0x810 ss:$0x81] =	vst.msk $0xffff, v2;
	s31 =	sand.u32 $0x7, s13;
	s16 =	sor.u32 s17, s16;
	s17 =	sadd.s32 s3, s30  }
0x11: {  	[tilespmem:s15+$0x1020 ss:$0x81] =	vst.msk $0xffff, v0;
	s13 =	sshll.u32 s31, $0x12;
	s12 =	sadd.s32 s12, s17;
	s16 =	sshrl.u32 s16, $0x3  }
0x12: {  	[tilespmem:s15+$0x0 ss:$0x81] =	vst.msk $0xffff, v1;
	s13 =	sor.u32 $0x400, s13;
	s12 =	sadd.s32 s16, s12  }
0x13: {  	[hbm4b:s12+s13] =	stream.strided.scatter [tilespmem:s14], [sflag:$0x2], $0x2000, s8, s13, $0x20;
	[tilespmem:$0x8080] =	vst v63  }
.LBB1_5:
0x14: {  	s14 =	sadd.s32 $0x1, s9  }
0x15: {  	s12 =	sadd.s32 $0x1000, s10;
	s16 =	smov.u32 s10;
	p2 =	sgt.s32 s14, $0x31  }
0x16: {  	s16 =	smov.u32 @p2 s12  }
0x17: {  	s14 =	simm.s32 @p2 $0x0;
	p2 =	sgt.s32 s16, $0x3FFF  }
0x18: {  	s16 =	smov.u32 @p2 s2;
	p2 =	sne.s32 s11, s7  }
.Ltmp1:
0x19: {  	p1 =	slt.u32 s11, $0x2;
	(pc) =	sbr.rel @!p2 .LBB1_6-.Ltmp1, $4  }
0x1a: {  	s15 =	simm.s32 @!p1 $0x2  }
0x1b: {  	s13 =	smov.u32 s10;
	p0 =	por !p0, !p0;
	_ =	swait.ge @!p1 [sflag:s15], $0x2000  }
0x1c: {  	s12 =	smov.u32 s9;
	[sflag:s15] =	ssyncset.done @!p1 $0x0;
	s9 =	smov.u32 s14  }
0x1d: {  	s11 =	sadd.s32 $0x1, s11;
	[sflag:s15] =	ssyncadd.s32 @!p1 $0xFFFFE000;
	s10 =	smov.u32 s16  }
.LBB1_1:
0x1e: {  	p1 =	sge.u32 s11, s5  }
0x1f: {  	s14 =	sand.u32 @!p1 $0x1FFFFFF, s9  }
0x20: {  	s15 =	smulhi.u32 @!p1 $0x4924925, s14;
	_ =	sdelay $0x1  }
0x21: {  	s15 =	smul.u32 @!p1 $0x38, s15  }
0x22: {  	s16 =	sxor.u32 @!p1 $0xFFFFFFFF, s11;
	s17 =	smul.u32 @!p1 $0x380, s10  }
0x23: {  	s31 =	sadd.s32 $0xFFFFFFFF, s11;
	s16 =	sshll.u32 @!p1 s16, $0xD;
	s14 =	ssub.s32 @!p1 s14, s15  }
0x24: {  	s15 =	sand.u32 @!p1 $0x2000, s16;
	s16 =	sadd.s32 @!p1 s6, s17;
	s14 =	sshll.u32 @!p1 s14, $0x4  }
0x25: {  	s17 =	simm.s32 @!p1 $0x1C00;
	s14 =	sadd.s32 @!p1 s14, s16;
	s16 =	simm.s32 @!p1 $0x40  }
0x26: {  	[tilespmem:s15], [sflag:$0x1] =	stream.strided.gather @!p1 [hbm4b:s14+s16], $0x2000, s17, s16, $0x38;
	[tilespmem:$0x8080] =	vst v63  }
0x27: {  	p1 =	sge.u32 s31, s5  }
.Ltmp2:
0x28: {  	_ = 	snop;
	(pc) =	sbr.rel @p1 .LBB1_5-.Ltmp2, $1  }
0x29: {  	_ =	sdelay $0x3  }
0x2a: {  	s14 =	simm.s32 $0x1  }
0x2b: {  	_ =	swait.ge [sflag:s4], $0x2000;
	s14 =	simm.s32 @!p0 $0x0  }
0x2c: {  	[sflag:s4] =	ssyncset.done $0x0;
	s15 =	sshll.u32 s14, $0xD  }
0x2d: {  	[sflag:s4] =	ssyncadd.s32 $0xFFFFE000;
	s18 =	sor.u32 $0x20, s15  }
0x2e: {  	s14 =	smul.u32 $0x8100, s14;
	v3 =	vld [tilespmem:s18+$0x10]  }
0x2f: {  	s30 =	sand.u32 $0x1, s11;
	v2 =	vld [tilespmem:s18+$0xFFFFFFF0]  }
0x30: {  	s15 =	smul.u32 $0x8100, s30;
	s14 =	sshrl.u32 s14, $0x2;
	v0 =	vld [tilespmem:s18+$0x0]  }
0x31: {  	v1 =	vld [tilespmem:s18+$0xFFFFFFE0];
	s16 =	sor.u32 $0x4000, s14  }
0x32: {  	s31 =	sshrl.u32 s15, $0x2;
	s15 =	sadd.s32 $0x0, s16  }
0x33: {  	s17 =	simm.s32 $0x4;
	s18 =	sadd.s32 $0x40, s18;
	s14 =	sor.u32 $0x4000, s31;
	[tilespmem:s15+$0x1830 ss:$0x81] =	vst.msk $0xffff, v3  }
.LBB1_3:
0x34: {  	v3 =	vld [tilespmem:s18+$0x10];
	p1 =	sne.s32 s17, $0x1FC;
	[tilespmem:s15+$0x810 ss:$0x81] =	vst.msk $0xffff, v2;
	s19 =	smov.u32 s17;
	s17 =	sadd.s32 $0x4, s17  }
.Ltmp3:
0x35: {  	v2 =	vld [tilespmem:s18+$0xFFFFFFF0];
	[tilespmem:s15+$0x1020 ss:$0x81] =	vst.msk $0xffff, v0;
	(pc) =	sbr.rel @p1 .LBB1_3-.Ltmp3, $4  }
0x36: {  	v0 =	vld [tilespmem:s18+$0x0];
	[tilespmem:s15+$0x0 ss:$0x81] =	vst.msk $0xffff, v1  }
0x37: {  	s15 =	sshra.s32 s19, $0x2;
	v1 =	vld [tilespmem:s18+$0xFFFFFFE0]  }
0x38: {  	s15 =	sadd.s32 s15, s16  }
0x39: {  	s18 =	sadd.s32 $0x40, s18;
	[tilespmem:s15+$0x1830 ss:$0x81] =	vst.msk $0xffff, v3  }
.Ltmp4:
0x3a: {  	_ = 	snop;
	(pc) =	sbr.rel .LBB1_4-.Ltmp4, $1  }
0x3b: {  	_ =	sdelay $0x3  }
.LBB1_6:
0x3c: {  	_ =	sfence.sel $0x180000  }
0x3d: {  	s2 =	simm.s32 $0x1;
	[bflag:$0x0] =	sbarrier.arrive $0xFFFF  }
0x3e: {  	s31 =	simm.s32 $0x2;
	[sflag:s2] =	ssyncpa.u1 $0x1  }
0x3f: {  	[sflag:s31] =	ssyncpa.u1 $0x1  }
0x40: {  	p0 =	sne.s32 s0, $0x0;
	_ =	strace $0x9000004A  }
0x41: {  	s0 =	sadd.s32 @!p0 $0x100000, s1;
	[bflag:$0x2] =	sbarrier.arrive $0xFFFF  }
0x42: {  	[sflag:s0] =	ssyncadd.tile.s32 @!p0 $0x1;
	_ =	shalt  }
.Lfunc_end1:
_tile_overlayer_lowered:
.L_overlay_start_2:
0x43: {  	(tag) =	ssettag $0x2  }
0x44: {  	s0 =	rddreg [dreg:$0x0];
	s2 =	stileid.u32  }
0x45: {  	s1 =	rddreg [dreg:$0x1];
	p0 =	sne.s32 s2, $0x0  }
0x46: {  	s3 =	rddreg [dreg:$0x2];
	[bflag:$0x3] =	sbarrier.arrive $0xFFFF;
	s2 =	simm.s32 @!p0 $0x1C01  }
0x47: {  	[timem:s3], [sflag:s2] =	dma.local @!p0 [hbm:s0], s1  }
0x48: {  	s0 =	simm.s32 @!p0 $0x1  }
0x49: {  	_ =	swait.ge @!p0 [sflag:s0], s1  }
0x4a: {  	s1 =	ssub.s32 @!p0 $0x0, s1;
	[sflag:s0] =	ssyncset.done @!p0 $0x0  }
0x4b: {  	[sflag:s0] =	ssyncadd.s32 @!p0 s1  }
0x4c: {  	[bflag:$0x3] =	sbarrier.arrive $0xFFFF  }
0x4d: {  	_ =	shalt  }

</sc_bundles>
